<compile_context>
chip_gen: v7x
topology: tpu7x:2x2x1
jax: 0.10.2.dev20260603
libtpu: 0.0.44.dev20260713+nightly
codegen_flags: <defaults>
</compile_context>

<pallas_src>
import functools

import jax
import jax.numpy as jnp
from jax import lax
from jax.experimental import pallas as pl
from jax.experimental.pallas import tpu as pltpu
from jax.experimental.pallas import tpu_sc as plsc

_LANES = 16
_NW = 32
_CHUNK = 128
_FIRE = 8


_NQ = 5


def _sc_gather(table, idx2):
    n_chunks = idx2.shape[0]
    ch_per_w = n_chunks // _NW
    rows_per_w = ch_per_w * _CHUNK
    lines_per_w = rows_per_w // 8
    lines_per_q = lines_per_w // _NQ
    rows_per_q = rows_per_w // _NQ
    mesh = plsc.VectorSubcoreMesh(core_axis_name="c", subcore_axis_name="s")

    @functools.partial(
        pl.kernel,
        mesh=mesh,
        out_type=jax.ShapeDtypeStruct(
            (n_chunks * _CHUNK // 8, 8 * _LANES), jnp.float32
        ),
        scratch_types=[
            pltpu.VMEM((ch_per_w, _CHUNK), jnp.int32),
            pltpu.VMEM((rows_per_w, _LANES), jnp.float32),
            pltpu.VMEM((lines_per_q, 8 * _LANES), jnp.float32),
            pltpu.SemaphoreType.DMA,
        ],
        compiler_params=pltpu.CompilerParams(use_tc_tiling_on_sc=False),
    )
    def k(table_hbm, idx_hbm, out_hbm, idx_v, rows_v, buf_v, sem):
        wid = lax.axis_index("s") * 2 + lax.axis_index("c")
        cbase = wid * ch_per_w
        pltpu.sync_copy(idx_hbm.at[pl.ds(cbase, ch_per_w)], idx_v)

        def body(jo, carry):
            copies = []
            for k2 in range(_FIRE):
                j = jo * _FIRE + k2
                copies.append(
                    pltpu.async_copy(
                        table_hbm.at[idx_v.at[j]],
                        rows_v.at[pl.ds(j * _CHUNK, _CHUNK)],
                        sem,
                    )
                )
            for c in copies:
                c.wait()
            return carry

        lax.fori_loop(0, ch_per_w // _FIRE, body, 0)

        for q in range(_NQ):
            def pack(r8, carry):
                for k2 in range(8):
                    v = rows_v[q * rows_per_q + r8 * 8 + k2, :]
                    buf_v[r8, pl.ds(k2 * _LANES, _LANES)] = v
                return carry

            lax.fori_loop(0, lines_per_q, pack, 0)
            pltpu.sync_copy(
                buf_v,
                out_hbm.at[pl.ds(wid * lines_per_w + q * lines_per_q,
                                 lines_per_q)],
            )

    return k(table, idx2)


def _tc_body(b_dim, p_blk, m_dim, cin, cout, w_ref, xg_ref, bias_ref, out_ref):
    zw = cout * cin
    w = w_ref[...]
    xg = xg_ref[...]
    zmod = lax.broadcasted_iota(jnp.int32, (1, 1, zw), 2) % cin
    psums = []
    for b in range(b_dim):
        cs = [
            jnp.broadcast_to(
                xg[:, :, b * cin + i][:, :, None], (p_blk, m_dim, zw)
            )
            for i in range(cin)
        ]
        xge = cs[-1]
        for i in range(cin - 2, -1, -1):
            xge = jnp.where(zmod == i, cs[i], xge)
        psums.append(w * xge)
    psa = jnp.concatenate([p[None] for p in psums], axis=0)
    psa = psa.reshape(b_dim * p_blk * m_dim, zw)
    zi = lax.broadcasted_iota(jnp.int32, (zw, cout), 0)
    oi = lax.broadcasted_iota(jnp.int32, (zw, cout), 1)
    sel = (zi // cin == oi).astype(jnp.float32)
    y = lax.dot(psa, sel, preferred_element_type=jnp.float32)
    y = jnp.sum(y.reshape(b_dim, p_blk, m_dim, cout), axis=2)
    y = y + bias_ref[...][None]
    y = jnp.where(y > 0, y, jnp.exp(jnp.minimum(y, 0.0)) - 1.0)
    out_ref[...] = y


def kernel(x_batch, neighbor_id_lstlst, weights, bias):
    b_dim, n, cin = x_batch.shape
    m_dim = neighbor_id_lstlst.shape[1]
    cout = weights.shape[2]

    xt = jnp.transpose(x_batch, (1, 0, 2)).reshape(n, b_dim * cin)
    xt = jnp.concatenate(
        [xt, jnp.zeros((n, _LANES - b_dim * cin), xt.dtype)], axis=1
    )
    idx_flat = neighbor_id_lstlst.reshape(-1)
    n_rows = idx_flat.shape[0]
    rows_pad = -n_rows % (_NW * _FIRE * _CHUNK)
    idx2 = jnp.concatenate(
        [idx_flat, jnp.zeros((rows_pad,), idx_flat.dtype)]
    ).reshape(-1, _CHUNK)
    xg = _sc_gather(xt, idx2)
    xg = xg[: n_rows // 8].reshape(n, m_dim, _LANES)

    w_r = weights.reshape(n, m_dim, cout * cin)

    p_blk = 80
    grid = (n // p_blk,)
    out = pl.pallas_call(
        functools.partial(_tc_body, b_dim, p_blk, m_dim, cin, cout),
        grid=grid,
        in_specs=[
            pl.BlockSpec((p_blk, m_dim, cout * cin), lambda i: (i, 0, 0)),
            pl.BlockSpec((p_blk, m_dim, _LANES), lambda i: (i, 0, 0)),
            pl.BlockSpec((1, cout), lambda i: (0, 0)),
        ],
        out_specs=pl.BlockSpec((b_dim, p_blk, cout), lambda i: (0, i, 0)),
        out_shape=jax.ShapeDtypeStruct((b_dim, n, cout), jnp.float32),
        compiler_params=pltpu.CompilerParams(
            dimension_semantics=("arbitrary",),
        ),
    )(w_r, xg, bias.reshape(1, cout))
    return out

# --- scband reference (transcript-rebuilt; emitter-appended) ---
"""Pipeline reference for scband-gvae-24833500906043 (READ-ONLY COPY).

The authoritative reference and input builder live on the scoring server;
editing this copy changes nothing except your own understanding.
"""

import jax, jax.numpy as jnp
import numpy as np

B, N, CIN, COUT, M = 4, 10000, 3, 64, 16

def setup_inputs(seed: int = 0) -> dict:
    key = jax.random.key(seed)
    k1, k2, k3 = jax.random.split(key, 3)
    x_batch = jax.random.normal(k1, (B, N, CIN), dtype=jnp.float32)
    neighbor_id_lstlst = jax.random.randint(k2, (N, M), 0, N)
    # learned params for the 'vw' (variant-weight) conv layer
    weights = (jax.random.normal(k3, (N, M, COUT, CIN), dtype=jnp.float32) / (M * 1.0))
    bias = jnp.zeros((COUT,), dtype=jnp.float32)
    return {"x_batch": x_batch, "neighbor_id_lstlst": neighbor_id_lstlst, "weights": weights, "bias": bias}

def reference(x_batch, neighbor_id_lstlst, weights, bias):
    # Faithful translation of GVAE.forward_one_layer_perBatch with conv_method='vw', layer_type='c':
    #   x_pad = cat(x_batch, zeros(batch,1,in_channel))   (pad row for masked/absent neighbors)
    #   in_neighbors = x_pad[:, neighbor_id_lstlst]       (gather: [B, out_pn, max_nb, in_c])
    #   out = sum_{n,i} weights[p,n,o,i] * in_neighbors[b,p,n,i] + bias
    #   activation = ELU
    b = x_batch.shape[0]
    in_channel = x_batch.shape[2]
    x_pad = jnp.concatenate([x_batch, jnp.zeros((b, 1, in_channel), dtype=x_batch.dtype)], axis=1)
    in_neighbors = x_pad[:, neighbor_id_lstlst]  # [B, N, M, CIN] gather
    out_x_conv = jnp.einsum('bpmi,pmoi->bpo', in_neighbors, weights) + bias
    out_x_conv = jax.nn.elu(out_x_conv)
    return out_x_conv

if __name__ == "__main__":
    import jax
    _d = setup_inputs()
    print(jax.jit(kernel)(*tuple(_d.values())))

</pallas_src>

<mosaic_0001>
#map = affine_map<(d0, d1) -> (0, 0)>
module attributes {stable_mosaic.version = 14 : i64} {
  func.func @k(%arg0: i32, %arg1: i32, %arg2: memref<10000x16xf32, #tpu.memory_space<hbm>>, %arg3: memref<1280x128xi32, #tpu.memory_space<hbm>>, %arg4: memref<20480x128xf32, #tpu.memory_space<hbm>>, %arg5: memref<40x128xi32, #tpu.memory_space<vmem>>, %arg6: memref<5120x16xf32, #tpu.memory_space<vmem>>, %arg7: memref<128x128xf32, #tpu.memory_space<vmem>>, %arg8: memref<!tpu.dma_semaphore, #tpu.memory_space<semaphore_mem>>) attributes {dimension_semantics = [#tpu.dimension_semantics<core_parallel>, #tpu.dimension_semantics<subcore_parallel>], iteration_bounds = array<i64: 2, 16>, scalar_prefetch = 0 : i64, scratch_operands = 4 : i64, tpu.core_type = #tpu.core_type<sc_vector_subcore>, window_params = [{transform_indices = #map}, {transform_indices = #map}, {transform_indices = #map}]} {
    %mul3A = arith.constant 2 : i32
    %mul3A_0 = arith.muli %arg1, %mul3A : i32
    %add3A = arith.addi %mul3A_0, %arg0 : i32
    %mul3A_1 = arith.constant 40 : i32
    %mul3A_2 = arith.muli %add3A, %mul3A_1 : i32
    "tpu.region"() ({
      %run_scoped3A = tpu.sem_alloc : memref<!tpu.dma_semaphore, #tpu.memory_space<semaphore_mem>>
      %dma_start3A = arith.constant 0 : i32
      %dma_start3A_58 = tpu.memref_slice %arg3[%mul3A_2, %dma_start3A] : memref<1280x128xi32, #tpu.memory_space<hbm>> -> memref<40x128xi32, #tpu.memory_space<hbm>>
      %dma_start3A_59 = arith.constant 0 : i32
      %dma_start3A_60 = tpu.memref_slice %arg3[%mul3A_2, %dma_start3A_59] : memref<1280x128xi32, #tpu.memory_space<hbm>> -> memref<40x128xi32, #tpu.memory_space<hbm>>
      tpu.enqueue_dma source(%dma_start3A_60 : memref<40x128xi32, #tpu.memory_space<hbm>>) target(%arg5 : memref<40x128xi32, #tpu.memory_space<vmem>>) target_semaphore(%run_scoped3A : memref<!tpu.dma_semaphore, #tpu.memory_space<semaphore_mem>>)
      %dma_wait3A = arith.constant 0 : i32
      %dma_wait3A_61 = tpu.memref_slice %arg3[%mul3A_2, %dma_wait3A] : memref<1280x128xi32, #tpu.memory_space<hbm>> -> memref<40x128xi32, #tpu.memory_space<hbm>>
      %dma_wait3A_62 = arith.constant 0 : i32
      %dma_wait3A_63 = tpu.memref_slice %arg3[%mul3A_2, %dma_wait3A_62] : memref<1280x128xi32, #tpu.memory_space<hbm>> -> memref<40x128xi32, #tpu.memory_space<hbm>>
      tpu.wait_dma2 semaphore(%run_scoped3A : memref<!tpu.dma_semaphore, #tpu.memory_space<semaphore_mem>>) src(%dma_wait3A_63 : memref<40x128xi32, #tpu.memory_space<hbm>>) dst(%arg5 : memref<40x128xi32, #tpu.memory_space<vmem>>)
      tpu.yield
    }) : () -> ()
    %scan3A = arith.constant 0 : i32
    %scan3A_3 = arith.constant 0 : i32
    %scan3A_4 = arith.constant 5 : i32
    %scan3A_5 = arith.addi %scan3A_3, %scan3A_4 : i32
    %scan3A_6 = arith.constant 1 : i32
    scf.for %scan3A_58 = %scan3A_3 to %scan3A_5 step %scan3A_6  : i32 {
      %mul3A_59 = arith.constant 8 : i32
      %mul3A_60 = arith.muli %scan3A_58, %mul3A_59 : i32
      %add3A_61 = arith.constant 0 : i32
      %add3A_62 = arith.addi %mul3A_60, %add3A_61 : i32
      %mul3A_63 = arith.constant 128 : i32
      %mul3A_64 = arith.muli %add3A_62, %mul3A_63 : i32
      %dma_start3A = arith.constant 0 : i32
      %dma_start3A_65 = tpu.memref_slice %arg6[%mul3A_64, %dma_start3A] : memref<5120x16xf32, #tpu.memory_space<vmem>> -> memref<128x16xf32, #tpu.memory_space<vmem>>
      %dma_start3A_66 = arith.constant 0 : i32
      %dma_start3A_67 = tpu.memref_slice %arg5[%add3A_62, %dma_start3A_66] : memref<40x128xi32, #tpu.memory_space<vmem>> -> memref<1x128xi32, #tpu.memory_space<vmem>>
      %dma_start3A_68 = tpu.memref_squeeze %dma_start3A_67 : memref<1x128xi32, #tpu.memory_space<vmem>> -> memref<128xi32, #tpu.memory_space<vmem>>
      %dma_start3A_69 = arith.constant 0 : i32
      %dma_start3A_70 = arith.constant 0 : i32
      %dma_start3A_71 = tpu.memref_slice %arg2[%dma_start3A_69, %dma_start3A_70] : memref<10000x16xf32, #tpu.memory_space<hbm>> -> memref<10000x16xf32, #tpu.memory_space<hbm>>
      tpu.enqueue_indirect_dma source(%dma_start3A_71 : memref<10000x16xf32, #tpu.memory_space<hbm>>) target(%dma_start3A_65 : memref<128x16xf32, #tpu.memory_space<vmem>>) offsets(%dma_start3A_68 : memref<128xi32, #tpu.memory_space<vmem>>) semaphore(%arg8 : memref<!tpu.dma_semaphore, #tpu.memory_space<semaphore_mem>>)
      %mul3A_72 = arith.constant 8 : i32
      %mul3A_73 = arith.muli %scan3A_58, %mul3A_72 : i32
      %add3A_74 = arith.constant 1 : i32
      %add3A_75 = arith.addi %mul3A_73, %add3A_74 : i32
      %mul3A_76 = arith.constant 128 : i32
      %mul3A_77 = arith.muli %add3A_75, %mul3A_76 : i32
      %dma_start3A_78 = arith.constant 0 : i32
      %dma_start3A_79 = tpu.memref_slice %arg6[%mul3A_77, %dma_start3A_78] : memref<5120x16xf32, #tpu.memory_space<vmem>> -> memref<128x16xf32, #tpu.memory_space<vmem>>
      %dma_start3A_80 = arith.constant 0 : i32
      %dma_start3A_81 = tpu.memref_slice %arg5[%add3A_75, %dma_start3A_80] : memref<40x128xi32, #tpu.memory_space<vmem>> -> memref<1x128xi32, #tpu.memory_space<vmem>>
      %dma_start3A_82 = tpu.memref_squeeze %dma_start3A_81 : memref<1x128xi32, #tpu.memory_space<vmem>> -> memref<128xi32, #tpu.memory_space<vmem>>
      %dma_start3A_83 = arith.constant 0 : i32
      %dma_start3A_84 = arith.constant 0 : i32
      %dma_start3A_85 = tpu.memref_slice %arg2[%dma_start3A_83, %dma_start3A_84] : memref<10000x16xf32, #tpu.memory_space<hbm>> -> memref<10000x16xf32, #tpu.memory_space<hbm>>
      tpu.enqueue_indirect_dma source(%dma_start3A_85 : memref<10000x16xf32, #tpu.memory_space<hbm>>) target(%dma_start3A_79 : memref<128x16xf32, #tpu.memory_space<vmem>>) offsets(%dma_start3A_82 : memref<128xi32, #tpu.memory_space<vmem>>) semaphore(%arg8 : memref<!tpu.dma_semaphore, #tpu.memory_space<semaphore_mem>>)
      %mul3A_86 = arith.constant 8 : i32
      %mul3A_87 = arith.muli %scan3A_58, %mul3A_86 : i32
      %add3A_88 = arith.constant 2 : i32
      %add3A_89 = arith.addi %mul3A_87, %add3A_88 : i32
      %mul3A_90 = arith.constant 128 : i32
      %mul3A_91 = arith.muli %add3A_89, %mul3A_90 : i32
      %dma_start3A_92 = arith.constant 0 : i32
      %dma_start3A_93 = tpu.memref_slice %arg6[%mul3A_91, %dma_start3A_92] : memref<5120x16xf32, #tpu.memory_space<vmem>> -> memref<128x16xf32, #tpu.memory_space<vmem>>
      %dma_start3A_94 = arith.constant 0 : i32
      %dma_start3A_95 = tpu.memref_slice %arg5[%add3A_89, %dma_start3A_94] : memref<40x128xi32, #tpu.memory_space<vmem>> -> memref<1x128xi32, #tpu.memory_space<vmem>>
      %dma_start3A_96 = tpu.memref_squeeze %dma_start3A_95 : memref<1x128xi32, #tpu.memory_space<vmem>> -> memref<128xi32, #tpu.memory_space<vmem>>
      %dma_start3A_97 = arith.constant 0 : i32
      %dma_start3A_98 = arith.constant 0 : i32
      %dma_start3A_99 = tpu.memref_slice %arg2[%dma_start3A_97, %dma_start3A_98] : memref<10000x16xf32, #tpu.memory_space<hbm>> -> memref<10000x16xf32, #tpu.memory_space<hbm>>
      tpu.enqueue_indirect_dma source(%dma_start3A_99 : memref<10000x16xf32, #tpu.memory_space<hbm>>) target(%dma_start3A_93 : memref<128x16xf32, #tpu.memory_space<vmem>>) offsets(%dma_start3A_96 : memref<128xi32, #tpu.memory_space<vmem>>) semaphore(%arg8 : memref<!tpu.dma_semaphore, #tpu.memory_space<semaphore_mem>>)
      %mul3A_100 = arith.constant 8 : i32
      %mul3A_101 = arith.muli %scan3A_58, %mul3A_100 : i32
      %add3A_102 = arith.constant 3 : i32
      %add3A_103 = arith.addi %mul3A_101, %add3A_102 : i32
      %mul3A_104 = arith.constant 128 : i32
      %mul3A_105 = arith.muli %add3A_103, %mul3A_104 : i32
      %dma_start3A_106 = arith.constant 0 : i32
      %dma_start3A_107 = tpu.memref_slice %arg6[%mul3A_105, %dma_start3A_106] : memref<5120x16xf32, #tpu.memory_space<vmem>> -> memref<128x16xf32, #tpu.memory_space<vmem>>
      %dma_start3A_108 = arith.constant 0 : i32
      %dma_start3A_109 = tpu.memref_slice %arg5[%add3A_103, %dma_start3A_108] : memref<40x128xi32, #tpu.memory_space<vmem>> -> memref<1x128xi32, #tpu.memory_space<vmem>>
      %dma_start3A_110 = tpu.memref_squeeze %dma_start3A_109 : memref<1x128xi32, #tpu.memory_space<vmem>> -> memref<128xi32, #tpu.memory_space<vmem>>
      %dma_start3A_111 = arith.constant 0 : i32
      %dma_start3A_112 = arith.constant 0 : i32
      %dma_start3A_113 = tpu.memref_slice %arg2[%dma_start3A_111, %dma_start3A_112] : memref<10000x16xf32, #tpu.memory_space<hbm>> -> memref<10000x16xf32, #tpu.memory_space<hbm>>
      tpu.enqueue_indirect_dma source(%dma_start3A_113 : memref<10000x16xf32, #tpu.memory_space<hbm>>) target(%dma_start3A_107 : memref<128x16xf32, #tpu.memory_space<vmem>>) offsets(%dma_start3A_110 : memref<128xi32, #tpu.memory_space<vmem>>) semaphore(%arg8 : memref<!tpu.dma_semaphore, #tpu.memory_space<semaphore_mem>>)
      %mul3A_114 = arith.constant 8 : i32
      %mul3A_115 = arith.muli %scan3A_58, %mul3A_114 : i32
      %add3A_116 = arith.constant 4 : i32
      %add3A_117 = arith.addi %mul3A_115, %add3A_116 : i32
      %mul3A_118 = arith.constant 128 : i32
      %mul3A_119 = arith.muli %add3A_117, %mul3A_118 : i32
      %dma_start3A_120 = arith.constant 0 : i32
      %dma_start3A_121 = tpu.memref_slice %arg6[%mul3A_119, %dma_start3A_120] : memref<5120x16xf32, #tpu.memory_space<vmem>> -> memref<128x16xf32, #tpu.memory_space<vmem>>
      %dma_start3A_122 = arith.constant 0 : i32
      %dma_start3A_123 = tpu.memref_slice %arg5[%add3A_117, %dma_start3A_122] : memref<40x128xi32, #tpu.memory_space<vmem>> -> memref<1x128xi32, #tpu.memory_space<vmem>>
      %dma_start3A_124 = tpu.memref_squeeze %dma_start3A_123 : memref<1x128xi32, #tpu.memory_space<vmem>> -> memref<128xi32, #tpu.memory_space<vmem>>
      %dma_start3A_125 = arith.constant 0 : i32
      %dma_start3A_126 = arith.constant 0 : i32
      %dma_start3A_127 = tpu.memref_slice %arg2[%dma_start3A_125, %dma_start3A_126] : memref<10000x16xf32, #tpu.memory_space<hbm>> -> memref<10000x16xf32, #tpu.memory_space<hbm>>
      tpu.enqueue_indirect_dma source(%dma_start3A_127 : memref<10000x16xf32, #tpu.memory_space<hbm>>) target(%dma_start3A_121 : memref<128x16xf32, #tpu.memory_space<vmem>>) offsets(%dma_start3A_124 : memref<128xi32, #tpu.memory_space<vmem>>) semaphore(%arg8 : memref<!tpu.dma_semaphore, #tpu.memory_space<semaphore_mem>>)
      %mul3A_128 = arith.constant 8 : i32
      %mul3A_129 = arith.muli %scan3A_58, %mul3A_128 : i32
      %add3A_130 = arith.constant 5 : i32
      %add3A_131 = arith.addi %mul3A_129, %add3A_130 : i32
      %mul3A_132 = arith.constant 128 : i32
      %mul3A_133 = arith.muli %add3A_131, %mul3A_132 : i32
      %dma_start3A_134 = arith.constant 0 : i32
      %dma_start3A_135 = tpu.memref_slice %arg6[%mul3A_133, %dma_start3A_134] : memref<5120x16xf32, #tpu.memory_space<vmem>> -> memref<128x16xf32, #tpu.memory_space<vmem>>
      %dma_start3A_136 = arith.constant 0 : i32
      %dma_start3A_137 = tpu.memref_slice %arg5[%add3A_131, %dma_start3A_136] : memref<40x128xi32, #tpu.memory_space<vmem>> -> memref<1x128xi32, #tpu.memory_space<vmem>>
      %dma_start3A_138 = tpu.memref_squeeze %dma_start3A_137 : memref<1x128xi32, #tpu.memory_space<vmem>> -> memref<128xi32, #tpu.memory_space<vmem>>
      %dma_start3A_139 = arith.constant 0 : i32
      %dma_start3A_140 = arith.constant 0 : i32
      %dma_start3A_141 = tpu.memref_slice %arg2[%dma_start3A_139, %dma_start3A_140] : memref<10000x16xf32, #tpu.memory_space<hbm>> -> memref<10000x16xf32, #tpu.memory_space<hbm>>
      tpu.enqueue_indirect_dma source(%dma_start3A_141 : memref<10000x16xf32, #tpu.memory_space<hbm>>) target(%dma_start3A_135 : memref<128x16xf32, #tpu.memory_space<vmem>>) offsets(%dma_start3A_138 : memref<128xi32, #tpu.memory_space<vmem>>) semaphore(%arg8 : memref<!tpu.dma_semaphore, #tpu.memory_space<semaphore_mem>>)
      %mul3A_142 = arith.constant 8 : i32
      %mul3A_143 = arith.muli %scan3A_58, %mul3A_142 : i32
      %add3A_144 = arith.constant 6 : i32
      %add3A_145 = arith.addi %mul3A_143, %add3A_144 : i32
      %mul3A_146 = arith.constant 128 : i32
      %mul3A_147 = arith.muli %add3A_145, %mul3A_146 : i32
      %dma_start3A_148 = arith.constant 0 : i32
      %dma_start3A_149 = tpu.memref_slice %arg6[%mul3A_147, %dma_start3A_148] : memref<5120x16xf32, #tpu.memory_space<vmem>> -> memref<128x16xf32, #tpu.memory_space<vmem>>
      %dma_start3A_150 = arith.constant 0 : i32
      %dma_start3A_151 = tpu.memref_slice %arg5[%add3A_145, %dma_start3A_150] : memref<40x128xi32, #tpu.memory_space<vmem>> -> memref<1x128xi32, #tpu.memory_space<vmem>>
      %dma_start3A_152 = tpu.memref_squeeze %dma_start3A_151 : memref<1x128xi32, #tpu.memory_space<vmem>> -> memref<128xi32, #tpu.memory_space<vmem>>
      %dma_start3A_153 = arith.constant 0 : i32
      %dma_start3A_154 = arith.constant 0 : i32
      %dma_start3A_155 = tpu.memref_slice %arg2[%dma_start3A_153, %dma_start3A_154] : memref<10000x16xf32, #tpu.memory_space<hbm>> -> memref<10000x16xf32, #tpu.memory_space<hbm>>
      tpu.enqueue_indirect_dma source(%dma_start3A_155 : memref<10000x16xf32, #tpu.memory_space<hbm>>) target(%dma_start3A_149 : memref<128x16xf32, #tpu.memory_space<vmem>>) offsets(%dma_start3A_152 : memref<128xi32, #tpu.memory_space<vmem>>) semaphore(%arg8 : memref<!tpu.dma_semaphore, #tpu.memory_space<semaphore_mem>>)
      %mul3A_156 = arith.constant 8 : i32
      %mul3A_157 = arith.muli %scan3A_58, %mul3A_156 : i32
      %add3A_158 = arith.constant 7 : i32
      %add3A_159 = arith.addi %mul3A_157, %add3A_158 : i32
      %mul3A_160 = arith.constant 128 : i32
      %mul3A_161 = arith.muli %add3A_159, %mul3A_160 : i32
      %dma_start3A_162 = arith.constant 0 : i32
      %dma_start3A_163 = tpu.memref_slice %arg6[%mul3A_161, %dma_start3A_162] : memref<5120x16xf32, #tpu.memory_space<vmem>> -> memref<128x16xf32, #tpu.memory_space<vmem>>
      %dma_start3A_164 = arith.constant 0 : i32
      %dma_start3A_165 = tpu.memref_slice %arg5[%add3A_159, %dma_start3A_164] : memref<40x128xi32, #tpu.memory_space<vmem>> -> memref<1x128xi32, #tpu.memory_space<vmem>>
      %dma_start3A_166 = tpu.memref_squeeze %dma_start3A_165 : memref<1x128xi32, #tpu.memory_space<vmem>> -> memref<128xi32, #tpu.memory_space<vmem>>
      %dma_start3A_167 = arith.constant 0 : i32
      %dma_start3A_168 = arith.constant 0 : i32
      %dma_start3A_169 = tpu.memref_slice %arg2[%dma_start3A_167, %dma_start3A_168] : memref<10000x16xf32, #tpu.memory_space<hbm>> -> memref<10000x16xf32, #tpu.memory_space<hbm>>
      tpu.enqueue_indirect_dma source(%dma_start3A_169 : memref<10000x16xf32, #tpu.memory_space<hbm>>) target(%dma_start3A_163 : memref<128x16xf32, #tpu.memory_space<vmem>>) offsets(%dma_start3A_166 : memref<128xi32, #tpu.memory_space<vmem>>) semaphore(%arg8 : memref<!tpu.dma_semaphore, #tpu.memory_space<semaphore_mem>>)
      %dma_wait3A = arith.constant 0 : i32
      %dma_wait3A_170 = tpu.memref_slice %arg6[%mul3A_64, %dma_wait3A] : memref<5120x16xf32, #tpu.memory_space<vmem>> -> memref<128x16xf32, #tpu.memory_space<vmem>>
      %dma_wait3A_171 = arith.constant 0 : i32
      %dma_wait3A_172 = tpu.memref_slice %arg5[%add3A_62, %dma_wait3A_171] : memref<40x128xi32, #tpu.memory_space<vmem>> -> memref<1x128xi32, #tpu.memory_space<vmem>>
      %dma_wait3A_173 = tpu.memref_squeeze %dma_wait3A_172 : memref<1x128xi32, #tpu.memory_space<vmem>> -> memref<128xi32, #tpu.memory_space<vmem>>
      %dma_wait3A_174 = arith.constant 0 : i32
      %dma_wait3A_175 = arith.constant 0 : i32
      %dma_wait3A_176 = tpu.memref_slice %arg2[%dma_wait3A_174, %dma_wait3A_175] : memref<10000x16xf32, #tpu.memory_space<hbm>> -> memref<10000x16xf32, #tpu.memory_space<hbm>>
      tpu.wait_indirect_dma semaphore(%arg8 : memref<!tpu.dma_semaphore, #tpu.memory_space<semaphore_mem>>) src(%dma_wait3A_176 : memref<10000x16xf32, #tpu.memory_space<hbm>>) dst(%dma_wait3A_170 : memref<128x16xf32, #tpu.memory_space<vmem>>)
      %dma_wait3A_177 = arith.constant 0 : i32
      %dma_wait3A_178 = tpu.memref_slice %arg6[%mul3A_77, %dma_wait3A_177] : memref<5120x16xf32, #tpu.memory_space<vmem>> -> memref<128x16xf32, #tpu.memory_space<vmem>>
      %dma_wait3A_179 = arith.constant 0 : i32
      %dma_wait3A_180 = tpu.memref_slice %arg5[%add3A_75, %dma_wait3A_179] : memref<40x128xi32, #tpu.memory_space<vmem>> -> memref<1x128xi32, #tpu.memory_space<vmem>>
      %dma_wait3A_181 = tpu.memref_squeeze %dma_wait3A_180 : memref<1x128xi32, #tpu.memory_space<vmem>> -> memref<128xi32, #tpu.memory_space<vmem>>
      %dma_wait3A_182 = arith.constant 0 : i32
      %dma_wait3A_183 = arith.constant 0 : i32
      %dma_wait3A_184 = tpu.memref_slice %arg2[%dma_wait3A_182, %dma_wait3A_183] : memref<10000x16xf32, #tpu.memory_space<hbm>> -> memref<10000x16xf32, #tpu.memory_space<hbm>>
      tpu.wait_indirect_dma semaphore(%arg8 : memref<!tpu.dma_semaphore, #tpu.memory_space<semaphore_mem>>) src(%dma_wait3A_184 : memref<10000x16xf32, #tpu.memory_space<hbm>>) dst(%dma_wait3A_178 : memref<128x16xf32, #tpu.memory_space<vmem>>)
      %dma_wait3A_185 = arith.constant 0 : i32
      %dma_wait3A_186 = tpu.memref_slice %arg6[%mul3A_91, %dma_wait3A_185] : memref<5120x16xf32, #tpu.memory_space<vmem>> -> memref<128x16xf32, #tpu.memory_space<vmem>>
      %dma_wait3A_187 = arith.constant 0 : i32
      %dma_wait3A_188 = tpu.memref_slice %arg5[%add3A_89, %dma_wait3A_187] : memref<40x128xi32, #tpu.memory_space<vmem>> -> memref<1x128xi32, #tpu.memory_space<vmem>>
      %dma_wait3A_189 = tpu.memref_squeeze %dma_wait3A_188 : memref<1x128xi32, #tpu.memory_space<vmem>> -> memref<128xi32, #tpu.memory_space<vmem>>
      %dma_wait3A_190 = arith.constant 0 : i32
      %dma_wait3A_191 = arith.constant 0 : i32
      %dma_wait3A_192 = tpu.memref_slice %arg2[%dma_wait3A_190, %dma_wait3A_191] : memref<10000x16xf32, #tpu.memory_space<hbm>> -> memref<10000x16xf32, #tpu.memory_space<hbm>>
      tpu.wait_indirect_dma semaphore(%arg8 : memref<!tpu.dma_semaphore, #tpu.memory_space<semaphore_mem>>) src(%dma_wait3A_192 : memref<10000x16xf32, #tpu.memory_space<hbm>>) dst(%dma_wait3A_186 : memref<128x16xf32, #tpu.memory_space<vmem>>)
      %dma_wait3A_193 = arith.constant 0 : i32
      %dma_wait3A_194 = tpu.memref_slice %arg6[%mul3A_105, %dma_wait3A_193] : memref<5120x16xf32, #tpu.memory_space<vmem>> -> memref<128x16xf32, #tpu.memory_space<vmem>>
      %dma_wait3A_195 = arith.constant 0 : i32
      %dma_wait3A_196 = tpu.memref_slice %arg5[%add3A_103, %dma_wait3A_195] : memref<40x128xi32, #tpu.memory_space<vmem>> -> memref<1x128xi32, #tpu.memory_space<vmem>>
      %dma_wait3A_197 = tpu.memref_squeeze %dma_wait3A_196 : memref<1x128xi32, #tpu.memory_space<vmem>> -> memref<128xi32, #tpu.memory_space<vmem>>
      %dma_wait3A_198 = arith.constant 0 : i32
      %dma_wait3A_199 = arith.constant 0 : i32
      %dma_wait3A_200 = tpu.memref_slice %arg2[%dma_wait3A_198, %dma_wait3A_199] : memref<10000x16xf32, #tpu.memory_space<hbm>> -> memref<10000x16xf32, #tpu.memory_space<hbm>>
      tpu.wait_indirect_dma semaphore(%arg8 : memref<!tpu.dma_semaphore, #tpu.memory_space<semaphore_mem>>) src(%dma_wait3A_200 : memref<10000x16xf32, #tpu.memory_space<hbm>>) dst(%dma_wait3A_194 : memref<128x16xf32, #tpu.memory_space<vmem>>)
      %dma_wait3A_201 = arith.constant 0 : i32
      %dma_wait3A_202 = tpu.memref_slice %arg6[%mul3A_119, %dma_wait3A_201] : memref<5120x16xf32, #tpu.memory_space<vmem>> -> memref<128x16xf32, #tpu.memory_space<vmem>>
      %dma_wait3A_203 = arith.constant 0 : i32
      %dma_wait3A_204 = tpu.memref_slice %arg5[%add3A_117, %dma_wait3A_203] : memref<40x128xi32, #tpu.memory_space<vmem>> -> memref<1x128xi32, #tpu.memory_space<vmem>>
      %dma_wait3A_205 = tpu.memref_squeeze %dma_wait3A_204 : memref<1x128xi32, #tpu.memory_space<vmem>> -> memref<128xi32, #tpu.memory_space<vmem>>
      %dma_wait3A_206 = arith.constant 0 : i32
      %dma_wait3A_207 = arith.constant 0 : i32
      %dma_wait3A_208 = tpu.memref_slice %arg2[%dma_wait3A_206, %dma_wait3A_207] : memref<10000x16xf32, #tpu.memory_space<hbm>> -> memref<10000x16xf32, #tpu.memory_space<hbm>>
      tpu.wait_indirect_dma semaphore(%arg8 : memref<!tpu.dma_semaphore, #tpu.memory_space<semaphore_mem>>) src(%dma_wait3A_208 : memref<10000x16xf32, #tpu.memory_space<hbm>>) dst(%dma_wait3A_202 : memref<128x16xf32, #tpu.memory_space<vmem>>)
      %dma_wait3A_209 = arith.constant 0 : i32
      %dma_wait3A_210 = tpu.memref_slice %arg6[%mul3A_133, %dma_wait3A_209] : memref<5120x16xf32, #tpu.memory_space<vmem>> -> memref<128x16xf32, #tpu.memory_space<vmem>>
      %dma_wait3A_211 = arith.constant 0 : i32
      %dma_wait3A_212 = tpu.memref_slice %arg5[%add3A_131, %dma_wait3A_211] : memref<40x128xi32, #tpu.memory_space<vmem>> -> memref<1x128xi32, #tpu.memory_space<vmem>>
      %dma_wait3A_213 = tpu.memref_squeeze %dma_wait3A_212 : memref<1x128xi32, #tpu.memory_space<vmem>> -> memref<128xi32, #tpu.memory_space<vmem>>
      %dma_wait3A_214 = arith.constant 0 : i32
      %dma_wait3A_215 = arith.constant 0 : i32
      %dma_wait3A_216 = tpu.memref_slice %arg2[%dma_wait3A_214, %dma_wait3A_215] : memref<10000x16xf32, #tpu.memory_space<hbm>> -> memref<10000x16xf32, #tpu.memory_space<hbm>>
      tpu.wait_indirect_dma semaphore(%arg8 : memref<!tpu.dma_semaphore, #tpu.memory_space<semaphore_mem>>) src(%dma_wait3A_216 : memref<10000x16xf32, #tpu.memory_space<hbm>>) dst(%dma_wait3A_210 : memref<128x16xf32, #tpu.memory_space<vmem>>)
      %dma_wait3A_217 = arith.constant 0 : i32
      %dma_wait3A_218 = tpu.memref_slice %arg6[%mul3A_147, %dma_wait3A_217] : memref<5120x16xf32, #tpu.memory_space<vmem>> -> memref<128x16xf32, #tpu.memory_space<vmem>>
      %dma_wait3A_219 = arith.constant 0 : i32
      %dma_wait3A_220 = tpu.memref_slice %arg5[%add3A_145, %dma_wait3A_219] : memref<40x128xi32, #tpu.memory_space<vmem>> -> memref<1x128xi32, #tpu.memory_space<vmem>>
      %dma_wait3A_221 = tpu.memref_squeeze %dma_wait3A_220 : memref<1x128xi32, #tpu.memory_space<vmem>> -> memref<128xi32, #tpu.memory_space<vmem>>
      %dma_wait3A_222 = arith.constant 0 : i32
      %dma_wait3A_223 = arith.constant 0 : i32
      %dma_wait3A_224 = tpu.memref_slice %arg2[%dma_wait3A_222, %dma_wait3A_223] : memref<10000x16xf32, #tpu.memory_space<hbm>> -> memref<10000x16xf32, #tpu.memory_space<hbm>>
      tpu.wait_indirect_dma semaphore(%arg8 : memref<!tpu.dma_semaphore, #tpu.memory_space<semaphore_mem>>) src(%dma_wait3A_224 : memref<10000x16xf32, #tpu.memory_space<hbm>>) dst(%dma_wait3A_218 : memref<128x16xf32, #tpu.memory_space<vmem>>)
      %dma_wait3A_225 = arith.constant 0 : i32
      %dma_wait3A_226 = tpu.memref_slice %arg6[%mul3A_161, %dma_wait3A_225] : memref<5120x16xf32, #tpu.memory_space<vmem>> -> memref<128x16xf32, #tpu.memory_space<vmem>>
      %dma_wait3A_227 = arith.constant 0 : i32
      %dma_wait3A_228 = tpu.memref_slice %arg5[%add3A_159, %dma_wait3A_227] : memref<40x128xi32, #tpu.memory_space<vmem>> -> memref<1x128xi32, #tpu.memory_space<vmem>>
      %dma_wait3A_229 = tpu.memref_squeeze %dma_wait3A_228 : memref<1x128xi32, #tpu.memory_space<vmem>> -> memref<128xi32, #tpu.memory_space<vmem>>
      %dma_wait3A_230 = arith.constant 0 : i32
      %dma_wait3A_231 = arith.constant 0 : i32
      %dma_wait3A_232 = tpu.memref_slice %arg2[%dma_wait3A_230, %dma_wait3A_231] : memref<10000x16xf32, #tpu.memory_space<hbm>> -> memref<10000x16xf32, #tpu.memory_space<hbm>>
      tpu.wait_indirect_dma semaphore(%arg8 : memref<!tpu.dma_semaphore, #tpu.memory_space<semaphore_mem>>) src(%dma_wait3A_232 : memref<10000x16xf32, #tpu.memory_space<hbm>>) dst(%dma_wait3A_226 : memref<128x16xf32, #tpu.memory_space<vmem>>)
    }
    %scan3A_7 = arith.constant 5 : i32
    %scan3A_8 = arith.constant 0 : i32
    %scan3A_9 = arith.constant 0 : i32
    %scan3A_10 = arith.constant 128 : i32
    %scan3A_11 = arith.addi %scan3A_9, %scan3A_10 : i32
    %scan3A_12 = arith.constant 1 : i32
    scf.for %scan3A_58 = %scan3A_9 to %scan3A_11 step %scan3A_12  : i32 {
      %mul3A_59 = arith.constant 8 : i32
      %mul3A_60 = arith.muli %scan3A_58, %mul3A_59 : i32
      %add3A_61 = arith.constant 0 : i32
      %add3A_62 = arith.addi %add3A_61, %mul3A_60 : i32
      %add3A_63 = arith.constant 0 : i32
      %add3A_64 = arith.addi %add3A_62, %add3A_63 : i32
      %get3A = arith.index_cast %add3A_64 : i32 to index
      %get3A_65 = arith.constant 0 : index
      %get3A_66 = tpu.vector_load %arg6[%get3A, %get3A_65] {strides = array<i32>} : memref<5120x16xf32, #tpu.memory_space<vmem>>, vector<1x16xf32>,
      %get3A_67 = vector.shape_cast %get3A_66 : vector<1x16xf32> to vector<16xf32>
      %swap3A = arith.index_cast %scan3A_58 : i32 to index
      %swap3A_68 = arith.constant 0 : index
      %swap3A_69 = tpu.vector_load %arg7[%swap3A, %swap3A_68] {strides = array<i32>} : memref<128x128xf32, #tpu.memory_space<vmem>>, vector<1x16xf32>,
      %swap3A_70 = vector.shape_cast %swap3A_69 : vector<1x16xf32> to vector<16xf32>
      %swap3A_71 = vector.shape_cast %get3A_67 : vector<16xf32> to vector<1x16xf32>
      tpu.vector_store %arg7[%swap3A, %swap3A_68], %swap3A_71 {strides = array<i32>} : memref<128x128xf32, #tpu.memory_space<vmem>>, vector<1x16xf32>,
      %mul3A_72 = arith.constant 8 : i32
      %mul3A_73 = arith.muli %scan3A_58, %mul3A_72 : i32
      %add3A_74 = arith.constant 0 : i32
      %add3A_75 = arith.addi %add3A_74, %mul3A_73 : i32
      %add3A_76 = arith.constant 1 : i32
      %add3A_77 = arith.addi %add3A_75, %add3A_76 : i32
      %get3A_78 = arith.index_cast %add3A_77 : i32 to index
      %get3A_79 = arith.constant 0 : index
      %get3A_80 = tpu.vector_load %arg6[%get3A_78, %get3A_79] {strides = array<i32>} : memref<5120x16xf32, #tpu.memory_space<vmem>>, vector<1x16xf32>,
      %get3A_81 = vector.shape_cast %get3A_80 : vector<1x16xf32> to vector<16xf32>
      %swap3A_82 = arith.index_cast %scan3A_58 : i32 to index
      %swap3A_83 = arith.constant 16 : index
      %swap3A_84 = tpu.vector_load %arg7[%swap3A_82, %swap3A_83] {strides = array<i32>} : memref<128x128xf32, #tpu.memory_space<vmem>>, vector<1x16xf32>,
      %swap3A_85 = vector.shape_cast %swap3A_84 : vector<1x16xf32> to vector<16xf32>
      %swap3A_86 = vector.shape_cast %get3A_81 : vector<16xf32> to vector<1x16xf32>
      tpu.vector_store %arg7[%swap3A_82, %swap3A_83], %swap3A_86 {strides = array<i32>} : memref<128x128xf32, #tpu.memory_space<vmem>>, vector<1x16xf32>,
      %mul3A_87 = arith.constant 8 : i32
      %mul3A_88 = arith.muli %scan3A_58, %mul3A_87 : i32
      %add3A_89 = arith.constant 0 : i32
      %add3A_90 = arith.addi %add3A_89, %mul3A_88 : i32
      %add3A_91 = arith.constant 2 : i32
      %add3A_92 = arith.addi %add3A_90, %add3A_91 : i32
      %get3A_93 = arith.index_cast %add3A_92 : i32 to index
      %get3A_94 = arith.constant 0 : index
      %get3A_95 = tpu.vector_load %arg6[%get3A_93, %get3A_94] {strides = array<i32>} : memref<5120x16xf32, #tpu.memory_space<vmem>>, vector<1x16xf32>,
      %get3A_96 = vector.shape_cast %get3A_95 : vector<1x16xf32> to vector<16xf32>
      %swap3A_97 = arith.index_cast %scan3A_58 : i32 to index
      %swap3A_98 = arith.constant 32 : index
      %swap3A_99 = tpu.vector_load %arg7[%swap3A_97, %swap3A_98] {strides = array<i32>} : memref<128x128xf32, #tpu.memory_space<vmem>>, vector<1x16xf32>,
      %swap3A_100 = vector.shape_cast %swap3A_99 : vector<1x16xf32> to vector<16xf32>
      %swap3A_101 = vector.shape_cast %get3A_96 : vector<16xf32> to vector<1x16xf32>
      tpu.vector_store %arg7[%swap3A_97, %swap3A_98], %swap3A_101 {strides = array<i32>} : memref<128x128xf32, #tpu.memory_space<vmem>>, vector<1x16xf32>,
      %mul3A_102 = arith.constant 8 : i32
      %mul3A_103 = arith.muli %scan3A_58, %mul3A_102 : i32
      %add3A_104 = arith.constant 0 : i32
      %add3A_105 = arith.addi %add3A_104, %mul3A_103 : i32
      %add3A_106 = arith.constant 3 : i32
      %add3A_107 = arith.addi %add3A_105, %add3A_106 : i32
      %get3A_108 = arith.index_cast %add3A_107 : i32 to index
      %get3A_109 = arith.constant 0 : index
      %get3A_110 = tpu.vector_load %arg6[%get3A_108, %get3A_109] {strides = array<i32>} : memref<5120x16xf32, #tpu.memory_space<vmem>>, vector<1x16xf32>,
      %get3A_111 = vector.shape_cast %get3A_110 : vector<1x16xf32> to vector<16xf32>
      %swap3A_112 = arith.index_cast %scan3A_58 : i32 to index
      %swap3A_113 = arith.constant 48 : index
      %swap3A_114 = tpu.vector_load %arg7[%swap3A_112, %swap3A_113] {strides = array<i32>} : memref<128x128xf32, #tpu.memory_space<vmem>>, vector<1x16xf32>,
      %swap3A_115 = vector.shape_cast %swap3A_114 : vector<1x16xf32> to vector<16xf32>
      %swap3A_116 = vector.shape_cast %get3A_111 : vector<16xf32> to vector<1x16xf32>
      tpu.vector_store %arg7[%swap3A_112, %swap3A_113], %swap3A_116 {strides = array<i32>} : memref<128x128xf32, #tpu.memory_space<vmem>>, vector<1x16xf32>,
      %mul3A_117 = arith.constant 8 : i32
      %mul3A_118 = arith.muli %scan3A_58, %mul3A_117 : i32
      %add3A_119 = arith.constant 0 : i32
      %add3A_120 = arith.addi %add3A_119, %mul3A_118 : i32
      %add3A_121 = arith.constant 4 : i32
      %add3A_122 = arith.addi %add3A_120, %add3A_121 : i32
      %get3A_123 = arith.index_cast %add3A_122 : i32 to index
      %get3A_124 = arith.constant 0 : index
      %get3A_125 = tpu.vector_load %arg6[%get3A_123, %get3A_124] {strides = array<i32>} : memref<5120x16xf32, #tpu.memory_space<vmem>>, vector<1x16xf32>,
      %get3A_126 = vector.shape_cast %get3A_125 : vector<1x16xf32> to vector<16xf32>
      %swap3A_127 = arith.index_cast %scan3A_58 : i32 to index
      %swap3A_128 = arith.constant 64 : index
      %swap3A_129 = tpu.vector_load %arg7[%swap3A_127, %swap3A_128] {strides = array<i32>} : memref<128x128xf32, #tpu.memory_space<vmem>>, vector<1x16xf32>,
      %swap3A_130 = vector.shape_cast %swap3A_129 : vector<1x16xf32> to vector<16xf32>
      %swap3A_131 = vector.shape_cast %get3A_126 : vector<16xf32> to vector<1x16xf32>
      tpu.vector_store %arg7[%swap3A_127, %swap3A_128], %swap3A_131 {strides = array<i32>} : memref<128x128xf32, #tpu.memory_space<vmem>>, vector<1x16xf32>,
      %mul3A_132 = arith.constant 8 : i32
      %mul3A_133 = arith.muli %scan3A_58, %mul3A_132 : i32
      %add3A_134 = arith.constant 0 : i32
      %add3A_135 = arith.addi %add3A_134, %mul3A_133 : i32
      %add3A_136 = arith.constant 5 : i32
      %add3A_137 = arith.addi %add3A_135, %add3A_136 : i32
      %get3A_138 = arith.index_cast %add3A_137 : i32 to index
      %get3A_139 = arith.constant 0 : index
      %get3A_140 = tpu.vector_load %arg6[%get3A_138, %get3A_139] {strides = array<i32>} : memref<5120x16xf32, #tpu.memory_space<vmem>>, vector<1x16xf32>,
      %get3A_141 = vector.shape_cast %get3A_140 : vector<1x16xf32> to vector<16xf32>
      %swap3A_142 = arith.index_cast %scan3A_58 : i32 to index
      %swap3A_143 = arith.constant 80 : index
      %swap3A_144 = tpu.vector_load %arg7[%swap3A_142, %swap3A_143] {strides = array<i32>} : memref<128x128xf32, #tpu.memory_space<vmem>>, vector<1x16xf32>,
      %swap3A_145 = vector.shape_cast %swap3A_144 : vector<1x16xf32> to vector<16xf32>
      %swap3A_146 = vector.shape_cast %get3A_141 : vector<16xf32> to vector<1x16xf32>
      tpu.vector_store %arg7[%swap3A_142, %swap3A_143], %swap3A_146 {strides = array<i32>} : memref<128x128xf32, #tpu.memory_space<vmem>>, vector<1x16xf32>,
      %mul3A_147 = arith.constant 8 : i32
      %mul3A_148 = arith.muli %scan3A_58, %mul3A_147 : i32
      %add3A_149 = arith.constant 0 : i32
      %add3A_150 = arith.addi %add3A_149, %mul3A_148 : i32
      %add3A_151 = arith.constant 6 : i32
      %add3A_152 = arith.addi %add3A_150, %add3A_151 : i32
      %get3A_153 = arith.index_cast %add3A_152 : i32 to index
      %get3A_154 = arith.constant 0 : index
      %get3A_155 = tpu.vector_load %arg6[%get3A_153, %get3A_154] {strides = array<i32>} : memref<5120x16xf32, #tpu.memory_space<vmem>>, vector<1x16xf32>,
      %get3A_156 = vector.shape_cast %get3A_155 : vector<1x16xf32> to vector<16xf32>
      %swap3A_157 = arith.index_cast %scan3A_58 : i32 to index
      %swap3A_158 = arith.constant 96 : index
      %swap3A_159 = tpu.vector_load %arg7[%swap3A_157, %swap3A_158] {strides = array<i32>} : memref<128x128xf32, #tpu.memory_space<vmem>>, vector<1x16xf32>,
      %swap3A_160 = vector.shape_cast %swap3A_159 : vector<1x16xf32> to vector<16xf32>
      %swap3A_161 = vector.shape_cast %get3A_156 : vector<16xf32> to vector<1x16xf32>
      tpu.vector_store %arg7[%swap3A_157, %swap3A_158], %swap3A_161 {strides = array<i32>} : memref<128x128xf32, #tpu.memory_space<vmem>>, vector<1x16xf32>,
      %mul3A_162 = arith.constant 8 : i32
      %mul3A_163 = arith.muli %scan3A_58, %mul3A_162 : i32
      %add3A_164 = arith.constant 0 : i32
      %add3A_165 = arith.addi %add3A_164, %mul3A_163 : i32
      %add3A_166 = arith.constant 7 : i32
      %add3A_167 = arith.addi %add3A_165, %add3A_166 : i32
      %get3A_168 = arith.index_cast %add3A_167 : i32 to index
      %get3A_169 = arith.constant 0 : index
      %get3A_170 = tpu.vector_load %arg6[%get3A_168, %get3A_169] {strides = array<i32>} : memref<5120x16xf32, #tpu.memory_space<vmem>>, vector<1x16xf32>,
      %get3A_171 = vector.shape_cast %get3A_170 : vector<1x16xf32> to vector<16xf32>
      %swap3A_172 = arith.index_cast %scan3A_58 : i32 to index
      %swap3A_173 = arith.constant 112 : index
      %swap3A_174 = tpu.vector_load %arg7[%swap3A_172, %swap3A_173] {strides = array<i32>} : memref<128x128xf32, #tpu.memory_space<vmem>>, vector<1x16xf32>,
      %swap3A_175 = vector.shape_cast %swap3A_174 : vector<1x16xf32> to vector<16xf32>
      %swap3A_176 = vector.shape_cast %get3A_171 : vector<16xf32> to vector<1x16xf32>
      tpu.vector_store %arg7[%swap3A_172, %swap3A_173], %swap3A_176 {strides = array<i32>} : memref<128x128xf32, #tpu.memory_space<vmem>>, vector<1x16xf32>,
    }
    %scan3A_13 = arith.constant 128 : i32
    %mul3A_14 = arith.constant 640 : i32
    %mul3A_15 = arith.muli %add3A, %mul3A_14 : i32
    %add3A_16 = arith.constant 0 : i32
    %add3A_17 = arith.addi %mul3A_15, %add3A_16 : i32
    "tpu.region"() ({
      %run_scoped3A = tpu.sem_alloc : memref<!tpu.dma_semaphore, #tpu.memory_space<semaphore_mem>>
      %dma_start3A = arith.constant 0 : i32
      %dma_start3A_58 = tpu.memref_slice %arg4[%add3A_17, %dma_start3A] : memref<20480x128xf32, #tpu.memory_space<hbm>> -> memref<128x128xf32, #tpu.memory_space<hbm>>
      %dma_start3A_59 = arith.constant 0 : i32
      %dma_start3A_60 = tpu.memref_slice %arg4[%add3A_17, %dma_start3A_59] : memref<20480x128xf32, #tpu.memory_space<hbm>> -> memref<128x128xf32, #tpu.memory_space<hbm>>
      tpu.enqueue_dma source(%arg7 : memref<128x128xf32, #tpu.memory_space<vmem>>) target(%dma_start3A_60 : memref<128x128xf32, #tpu.memory_space<hbm>>) target_semaphore(%run_scoped3A : memref<!tpu.dma_semaphore, #tpu.memory_space<semaphore_mem>>)
      %dma_wait3A = arith.constant 0 : i32
      %dma_wait3A_61 = tpu.memref_slice %arg4[%add3A_17, %dma_wait3A] : memref<20480x128xf32, #tpu.memory_space<hbm>> -> memref<128x128xf32, #tpu.memory_space<hbm>>
      %dma_wait3A_62 = arith.constant 0 : i32
      %dma_wait3A_63 = tpu.memref_slice %arg4[%add3A_17, %dma_wait3A_62] : memref<20480x128xf32, #tpu.memory_space<hbm>> -> memref<128x128xf32, #tpu.memory_space<hbm>>
      tpu.wait_dma2 semaphore(%run_scoped3A : memref<!tpu.dma_semaphore, #tpu.memory_space<semaphore_mem>>) src(%arg7 : memref<128x128xf32, #tpu.memory_space<vmem>>) dst(%dma_wait3A_63 : memref<128x128xf32, #tpu.memory_space<hbm>>)
      tpu.yield
    }) : () -> ()
    %scan3A_18 = arith.constant 0 : i32
    %scan3A_19 = arith.constant 0 : i32
    %scan3A_20 = arith.constant 128 : i32
    %scan3A_21 = arith.addi %scan3A_19, %scan3A_20 : i32
    %scan3A_22 = arith.constant 1 : i32
    scf.for %scan3A_58 = %scan3A_19 to %scan3A_21 step %scan3A_22  : i32 {
      %mul3A_59 = arith.constant 8 : i32
      %mul3A_60 = arith.muli %scan3A_58, %mul3A_59 : i32
      %add3A_61 = arith.constant 1024 : i32
      %add3A_62 = arith.addi %add3A_61, %mul3A_60 : i32
      %add3A_63 = arith.constant 0 : i32
      %add3A_64 = arith.addi %add3A_62, %add3A_63 : i32
      %get3A = arith.index_cast %add3A_64 : i32 to index
      %get3A_65 = arith.constant 0 : index
      %get3A_66 = tpu.vector_load %arg6[%get3A, %get3A_65] {strides = array<i32>} : memref<5120x16xf32, #tpu.memory_space<vmem>>, vector<1x16xf32>,
      %get3A_67 = vector.shape_cast %get3A_66 : vector<1x16xf32> to vector<16xf32>
      %swap3A = arith.index_cast %scan3A_58 : i32 to index
      %swap3A_68 = arith.constant 0 : index
      %swap3A_69 = tpu.vector_load %arg7[%swap3A, %swap3A_68] {strides = array<i32>} : memref<128x128xf32, #tpu.memory_space<vmem>>, vector<1x16xf32>,
      %swap3A_70 = vector.shape_cast %swap3A_69 : vector<1x16xf32> to vector<16xf32>
      %swap3A_71 = vector.shape_cast %get3A_67 : vector<16xf32> to vector<1x16xf32>
      tpu.vector_store %arg7[%swap3A, %swap3A_68], %swap3A_71 {strides = array<i32>} : memref<128x128xf32, #tpu.memory_space<vmem>>, vector<1x16xf32>,
      %mul3A_72 = arith.constant 8 : i32
      %mul3A_73 = arith.muli %scan3A_58, %mul3A_72 : i32
      %add3A_74 = arith.constant 1024 : i32
      %add3A_75 = arith.addi %add3A_74, %mul3A_73 : i32
      %add3A_76 = arith.constant 1 : i32
      %add3A_77 = arith.addi %add3A_75, %add3A_76 : i32
      %get3A_78 = arith.index_cast %add3A_77 : i32 to index
      %get3A_79 = arith.constant 0 : index
      %get3A_80 = tpu.vector_load %arg6[%get3A_78, %get3A_79] {strides = array<i32>} : memref<5120x16xf32, #tpu.memory_space<vmem>>, vector<1x16xf32>,
      %get3A_81 = vector.shape_cast %get3A_80 : vector<1x16xf32> to vector<16xf32>
      %swap3A_82 = arith.index_cast %scan3A_58 : i32 to index
      %swap3A_83 = arith.constant 16 : index
      %swap3A_84 = tpu.vector_load %arg7[%swap3A_82, %swap3A_83] {strides = array<i32>} : memref<128x128xf32, #tpu.memory_space<vmem>>, vector<1x16xf32>,
      %swap3A_85 = vector.shape_cast %swap3A_84 : vector<1x16xf32> to vector<16xf32>
      %swap3A_86 = vector.shape_cast %get3A_81 : vector<16xf32> to vector<1x16xf32>
      tpu.vector_store %arg7[%swap3A_82, %swap3A_83], %swap3A_86 {strides = array<i32>} : memref<128x128xf32, #tpu.memory_space<vmem>>, vector<1x16xf32>,
      %mul3A_87 = arith.constant 8 : i32
      %mul3A_88 = arith.muli %scan3A_58, %mul3A_87 : i32
      %add3A_89 = arith.constant 1024 : i32
      %add3A_90 = arith.addi %add3A_89, %mul3A_88 : i32
      %add3A_91 = arith.constant 2 : i32
      %add3A_92 = arith.addi %add3A_90, %add3A_91 : i32
      %get3A_93 = arith.index_cast %add3A_92 : i32 to index
      %get3A_94 = arith.constant 0 : index
      %get3A_95 = tpu.vector_load %arg6[%get3A_93, %get3A_94] {strides = array<i32>} : memref<5120x16xf32, #tpu.memory_space<vmem>>, vector<1x16xf32>,
      %get3A_96 = vector.shape_cast %get3A_95 : vector<1x16xf32> to vector<16xf32>
      %swap3A_97 = arith.index_cast %scan3A_58 : i32 to index
      %swap3A_98 = arith.constant 32 : index
      %swap3A_99 = tpu.vector_load %arg7[%swap3A_97, %swap3A_98] {strides = array<i32>} : memref<128x128xf32, #tpu.memory_space<vmem>>, vector<1x16xf32>,
      %swap3A_100 = vector.shape_cast %swap3A_99 : vector<1x16xf32> to vector<16xf32>
      %swap3A_101 = vector.shape_cast %get3A_96 : vector<16xf32> to vector<1x16xf32>
      tpu.vector_store %arg7[%swap3A_97, %swap3A_98], %swap3A_101 {strides = array<i32>} : memref<128x128xf32, #tpu.memory_space<vmem>>, vector<1x16xf32>,
      %mul3A_102 = arith.constant 8 : i32
      %mul3A_103 = arith.muli %scan3A_58, %mul3A_102 : i32
      %add3A_104 = arith.constant 1024 : i32
      %add3A_105 = arith.addi %add3A_104, %mul3A_103 : i32
      %add3A_106 = arith.constant 3 : i32
      %add3A_107 = arith.addi %add3A_105, %add3A_106 : i32
      %get3A_108 = arith.index_cast %add3A_107 : i32 to index
      %get3A_109 = arith.constant 0 : index
      %get3A_110 = tpu.vector_load %arg6[%get3A_108, %get3A_109] {strides = array<i32>} : memref<5120x16xf32, #tpu.memory_space<vmem>>, vector<1x16xf32>,
      %get3A_111 = vector.shape_cast %get3A_110 : vector<1x16xf32> to vector<16xf32>
      %swap3A_112 = arith.index_cast %scan3A_58 : i32 to index
      %swap3A_113 = arith.constant 48 : index
      %swap3A_114 = tpu.vector_load %arg7[%swap3A_112, %swap3A_113] {strides = array<i32>} : memref<128x128xf32, #tpu.memory_space<vmem>>, vector<1x16xf32>,
      %swap3A_115 = vector.shape_cast %swap3A_114 : vector<1x16xf32> to vector<16xf32>
      %swap3A_116 = vector.shape_cast %get3A_111 : vector<16xf32> to vector<1x16xf32>
      tpu.vector_store %arg7[%swap3A_112, %swap3A_113], %swap3A_116 {strides = array<i32>} : memref<128x128xf32, #tpu.memory_space<vmem>>, vector<1x16xf32>,
      %mul3A_117 = arith.constant 8 : i32
      %mul3A_118 = arith.muli %scan3A_58, %mul3A_117 : i32
      %add3A_119 = arith.constant 1024 : i32
      %add3A_120 = arith.addi %add3A_119, %mul3A_118 : i32
      %add3A_121 = arith.constant 4 : i32
      %add3A_122 = arith.addi %add3A_120, %add3A_121 : i32
      %get3A_123 = arith.index_cast %add3A_122 : i32 to index
      %get3A_124 = arith.constant 0 : index
      %get3A_125 = tpu.vector_load %arg6[%get3A_123, %get3A_124] {strides = array<i32>} : memref<5120x16xf32, #tpu.memory_space<vmem>>, vector<1x16xf32>,
      %get3A_126 = vector.shape_cast %get3A_125 : vector<1x16xf32> to vector<16xf32>
      %swap3A_127 = arith.index_cast %scan3A_58 : i32 to index
      %swap3A_128 = arith.constant 64 : index
      %swap3A_129 = tpu.vector_load %arg7[%swap3A_127, %swap3A_128] {strides = array<i32>} : memref<128x128xf32, #tpu.memory_space<vmem>>, vector<1x16xf32>,
      %swap3A_130 = vector.shape_cast %swap3A_129 : vector<1x16xf32> to vector<16xf32>
      %swap3A_131 = vector.shape_cast %get3A_126 : vector<16xf32> to vector<1x16xf32>
      tpu.vector_store %arg7[%swap3A_127, %swap3A_128], %swap3A_131 {strides = array<i32>} : memref<128x128xf32, #tpu.memory_space<vmem>>, vector<1x16xf32>,
      %mul3A_132 = arith.constant 8 : i32
      %mul3A_133 = arith.muli %scan3A_58, %mul3A_132 : i32
      %add3A_134 = arith.constant 1024 : i32
      %add3A_135 = arith.addi %add3A_134, %mul3A_133 : i32
      %add3A_136 = arith.constant 5 : i32
      %add3A_137 = arith.addi %add3A_135, %add3A_136 : i32
      %get3A_138 = arith.index_cast %add3A_137 : i32 to index
      %get3A_139 = arith.constant 0 : index
      %get3A_140 = tpu.vector_load %arg6[%get3A_138, %get3A_139] {strides = array<i32>} : memref<5120x16xf32, #tpu.memory_space<vmem>>, vector<1x16xf32>,
      %get3A_141 = vector.shape_cast %get3A_140 : vector<1x16xf32> to vector<16xf32>
      %swap3A_142 = arith.index_cast %scan3A_58 : i32 to index
      %swap3A_143 = arith.constant 80 : index
      %swap3A_144 = tpu.vector_load %arg7[%swap3A_142, %swap3A_143] {strides = array<i32>} : memref<128x128xf32, #tpu.memory_space<vmem>>, vector<1x16xf32>,
      %swap3A_145 = vector.shape_cast %swap3A_144 : vector<1x16xf32> to vector<16xf32>
      %swap3A_146 = vector.shape_cast %get3A_141 : vector<16xf32> to vector<1x16xf32>
      tpu.vector_store %arg7[%swap3A_142, %swap3A_143], %swap3A_146 {strides = array<i32>} : memref<128x128xf32, #tpu.memory_space<vmem>>, vector<1x16xf32>,
      %mul3A_147 = arith.constant 8 : i32
      %mul3A_148 = arith.muli %scan3A_58, %mul3A_147 : i32
      %add3A_149 = arith.constant 1024 : i32
      %add3A_150 = arith.addi %add3A_149, %mul3A_148 : i32
      %add3A_151 = arith.constant 6 : i32
      %add3A_152 = arith.addi %add3A_150, %add3A_151 : i32
      %get3A_153 = arith.index_cast %add3A_152 : i32 to index
      %get3A_154 = arith.constant 0 : index
      %get3A_155 = tpu.vector_load %arg6[%get3A_153, %get3A_154] {strides = array<i32>} : memref<5120x16xf32, #tpu.memory_space<vmem>>, vector<1x16xf32>,
      %get3A_156 = vector.shape_cast %get3A_155 : vector<1x16xf32> to vector<16xf32>
      %swap3A_157 = arith.index_cast %scan3A_58 : i32 to index
      %swap3A_158 = arith.constant 96 : index
      %swap3A_159 = tpu.vector_load %arg7[%swap3A_157, %swap3A_158] {strides = array<i32>} : memref<128x128xf32, #tpu.memory_space<vmem>>, vector<1x16xf32>,
      %swap3A_160 = vector.shape_cast %swap3A_159 : vector<1x16xf32> to vector<16xf32>
      %swap3A_161 = vector.shape_cast %get3A_156 : vector<16xf32> to vector<1x16xf32>
      tpu.vector_store %arg7[%swap3A_157, %swap3A_158], %swap3A_161 {strides = array<i32>} : memref<128x128xf32, #tpu.memory_space<vmem>>, vector<1x16xf32>,
      %mul3A_162 = arith.constant 8 : i32
      %mul3A_163 = arith.muli %scan3A_58, %mul3A_162 : i32
      %add3A_164 = arith.constant 1024 : i32
      %add3A_165 = arith.addi %add3A_164, %mul3A_163 : i32
      %add3A_166 = arith.constant 7 : i32
      %add3A_167 = arith.addi %add3A_165, %add3A_166 : i32
      %get3A_168 = arith.index_cast %add3A_167 : i32 to index
      %get3A_169 = arith.constant 0 : index
      %get3A_170 = tpu.vector_load %arg6[%get3A_168, %get3A_169] {strides = array<i32>} : memref<5120x16xf32, #tpu.memory_space<vmem>>, vector<1x16xf32>,
      %get3A_171 = vector.shape_cast %get3A_170 : vector<1x16xf32> to vector<16xf32>
      %swap3A_172 = arith.index_cast %scan3A_58 : i32 to index
      %swap3A_173 = arith.constant 112 : index
      %swap3A_174 = tpu.vector_load %arg7[%swap3A_172, %swap3A_173] {strides = array<i32>} : memref<128x128xf32, #tpu.memory_space<vmem>>, vector<1x16xf32>,
      %swap3A_175 = vector.shape_cast %swap3A_174 : vector<1x16xf32> to vector<16xf32>
      %swap3A_176 = vector.shape_cast %get3A_171 : vector<16xf32> to vector<1x16xf32>
      tpu.vector_store %arg7[%swap3A_172, %swap3A_173], %swap3A_176 {strides = array<i32>} : memref<128x128xf32, #tpu.memory_space<vmem>>, vector<1x16xf32>,
    }
    %scan3A_23 = arith.constant 128 : i32
    %mul3A_24 = arith.constant 640 : i32
    %mul3A_25 = arith.muli %add3A, %mul3A_24 : i32
    %add3A_26 = arith.constant 128 : i32
    %add3A_27 = arith.addi %mul3A_25, %add3A_26 : i32
    "tpu.region"() ({
      %run_scoped3A = tpu.sem_alloc : memref<!tpu.dma_semaphore, #tpu.memory_space<semaphore_mem>>
      %dma_start3A = arith.constant 0 : i32
      %dma_start3A_58 = tpu.memref_slice %arg4[%add3A_27, %dma_start3A] : memref<20480x128xf32, #tpu.memory_space<hbm>> -> memref<128x128xf32, #tpu.memory_space<hbm>>
      %dma_start3A_59 = arith.constant 0 : i32
      %dma_start3A_60 = tpu.memref_slice %arg4[%add3A_27, %dma_start3A_59] : memref<20480x128xf32, #tpu.memory_space<hbm>> -> memref<128x128xf32, #tpu.memory_space<hbm>>
      tpu.enqueue_dma source(%arg7 : memref<128x128xf32, #tpu.memory_space<vmem>>) target(%dma_start3A_60 : memref<128x128xf32, #tpu.memory_space<hbm>>) target_semaphore(%run_scoped3A : memref<!tpu.dma_semaphore, #tpu.memory_space<semaphore_mem>>)
      %dma_wait3A = arith.constant 0 : i32
      %dma_wait3A_61 = tpu.memref_slice %arg4[%add3A_27, %dma_wait3A] : memref<20480x128xf32, #tpu.memory_space<hbm>> -> memref<128x128xf32, #tpu.memory_space<hbm>>
      %dma_wait3A_62 = arith.constant 0 : i32
      %dma_wait3A_63 = tpu.memref_slice %arg4[%add3A_27, %dma_wait3A_62] : memref<20480x128xf32, #tpu.memory_space<hbm>> -> memref<128x128xf32, #tpu.memory_space<hbm>>
      tpu.wait_dma2 semaphore(%run_scoped3A : memref<!tpu.dma_semaphore, #tpu.memory_space<semaphore_mem>>) src(%arg7 : memref<128x128xf32, #tpu.memory_space<vmem>>) dst(%dma_wait3A_63 : memref<128x128xf32, #tpu.memory_space<hbm>>)
      tpu.yield
    }) : () -> ()
    %scan3A_28 = arith.constant 0 : i32
    %scan3A_29 = arith.constant 0 : i32
    %scan3A_30 = arith.constant 128 : i32
    %scan3A_31 = arith.addi %scan3A_29, %scan3A_30 : i32
    %scan3A_32 = arith.constant 1 : i32
    scf.for %scan3A_58 = %scan3A_29 to %scan3A_31 step %scan3A_32  : i32 {
      %mul3A_59 = arith.constant 8 : i32
      %mul3A_60 = arith.muli %scan3A_58, %mul3A_59 : i32
      %add3A_61 = arith.constant 2048 : i32
      %add3A_62 = arith.addi %add3A_61, %mul3A_60 : i32
      %add3A_63 = arith.constant 0 : i32
      %add3A_64 = arith.addi %add3A_62, %add3A_63 : i32
      %get3A = arith.index_cast %add3A_64 : i32 to index
      %get3A_65 = arith.constant 0 : index
      %get3A_66 = tpu.vector_load %arg6[%get3A, %get3A_65] {strides = array<i32>} : memref<5120x16xf32, #tpu.memory_space<vmem>>, vector<1x16xf32>,
      %get3A_67 = vector.shape_cast %get3A_66 : vector<1x16xf32> to vector<16xf32>
      %swap3A = arith.index_cast %scan3A_58 : i32 to index
      %swap3A_68 = arith.constant 0 : index
      %swap3A_69 = tpu.vector_load %arg7[%swap3A, %swap3A_68] {strides = array<i32>} : memref<128x128xf32, #tpu.memory_space<vmem>>, vector<1x16xf32>,
      %swap3A_70 = vector.shape_cast %swap3A_69 : vector<1x16xf32> to vector<16xf32>
      %swap3A_71 = vector.shape_cast %get3A_67 : vector<16xf32> to vector<1x16xf32>
      tpu.vector_store %arg7[%swap3A, %swap3A_68], %swap3A_71 {strides = array<i32>} : memref<128x128xf32, #tpu.memory_space<vmem>>, vector<1x16xf32>,
      %mul3A_72 = arith.constant 8 : i32
      %mul3A_73 = arith.muli %scan3A_58, %mul3A_72 : i32
      %add3A_74 = arith.constant 2048 : i32
      %add3A_75 = arith.addi %add3A_74, %mul3A_73 : i32
      %add3A_76 = arith.constant 1 : i32
      %add3A_77 = arith.addi %add3A_75, %add3A_76 : i32
      %get3A_78 = arith.index_cast %add3A_77 : i32 to index
      %get3A_79 = arith.constant 0 : index
      %get3A_80 = tpu.vector_load %arg6[%get3A_78, %get3A_79] {strides = array<i32>} : memref<5120x16xf32, #tpu.memory_space<vmem>>, vector<1x16xf32>,
      %get3A_81 = vector.shape_cast %get3A_80 : vector<1x16xf32> to vector<16xf32>
      %swap3A_82 = arith.index_cast %scan3A_58 : i32 to index
      %swap3A_83 = arith.constant 16 : index
      %swap3A_84 = tpu.vector_load %arg7[%swap3A_82, %swap3A_83] {strides = array<i32>} : memref<128x128xf32, #tpu.memory_space<vmem>>, vector<1x16xf32>,
      %swap3A_85 = vector.shape_cast %swap3A_84 : vector<1x16xf32> to vector<16xf32>
      %swap3A_86 = vector.shape_cast %get3A_81 : vector<16xf32> to vector<1x16xf32>
      tpu.vector_store %arg7[%swap3A_82, %swap3A_83], %swap3A_86 {strides = array<i32>} : memref<128x128xf32, #tpu.memory_space<vmem>>, vector<1x16xf32>,
      %mul3A_87 = arith.constant 8 : i32
      %mul3A_88 = arith.muli %scan3A_58, %mul3A_87 : i32
      %add3A_89 = arith.constant 2048 : i32
      %add3A_90 = arith.addi %add3A_89, %mul3A_88 : i32
      %add3A_91 = arith.constant 2 : i32
      %add3A_92 = arith.addi %add3A_90, %add3A_91 : i32
      %get3A_93 = arith.index_cast %add3A_92 : i32 to index
      %get3A_94 = arith.constant 0 : index
      %get3A_95 = tpu.vector_load %arg6[%get3A_93, %get3A_94] {strides = array<i32>} : memref<5120x16xf32, #tpu.memory_space<vmem>>, vector<1x16xf32>,
      %get3A_96 = vector.shape_cast %get3A_95 : vector<1x16xf32> to vector<16xf32>
      %swap3A_97 = arith.index_cast %scan3A_58 : i32 to index
      %swap3A_98 = arith.constant 32 : index
      %swap3A_99 = tpu.vector_load %arg7[%swap3A_97, %swap3A_98] {strides = array<i32>} : memref<128x128xf32, #tpu.memory_space<vmem>>, vector<1x16xf32>,
      %swap3A_100 = vector.shape_cast %swap3A_99 : vector<1x16xf32> to vector<16xf32>
      %swap3A_101 = vector.shape_cast %get3A_96 : vector<16xf32> to vector<1x16xf32>
      tpu.vector_store %arg7[%swap3A_97, %swap3A_98], %swap3A_101 {strides = array<i32>} : memref<128x128xf32, #tpu.memory_space<vmem>>, vector<1x16xf32>,
      %mul3A_102 = arith.constant 8 : i32
      %mul3A_103 = arith.muli %scan3A_58, %mul3A_102 : i32
      %add3A_104 = arith.constant 2048 : i32
      %add3A_105 = arith.addi %add3A_104, %mul3A_103 : i32
      %add3A_106 = arith.constant 3 : i32
      %add3A_107 = arith.addi %add3A_105, %add3A_106 : i32
      %get3A_108 = arith.index_cast %add3A_107 : i32 to index
      %get3A_109 = arith.constant 0 : index
      %get3A_110 = tpu.vector_load %arg6[%get3A_108, %get3A_109] {strides = array<i32>} : memref<5120x16xf32, #tpu.memory_space<vmem>>, vector<1x16xf32>,
      %get3A_111 = vector.shape_cast %get3A_110 : vector<1x16xf32> to vector<16xf32>
      %swap3A_112 = arith.index_cast %scan3A_58 : i32 to index
      %swap3A_113 = arith.constant 48 : index
      %swap3A_114 = tpu.vector_load %arg7[%swap3A_112, %swap3A_113] {strides = array<i32>} : memref<128x128xf32, #tpu.memory_space<vmem>>, vector<1x16xf32>,
      %swap3A_115 = vector.shape_cast %swap3A_114 : vector<1x16xf32> to vector<16xf32>
      %swap3A_116 = vector.shape_cast %get3A_111 : vector<16xf32> to vector<1x16xf32>
      tpu.vector_store %arg7[%swap3A_112, %swap3A_113], %swap3A_116 {strides = array<i32>} : memref<128x128xf32, #tpu.memory_space<vmem>>, vector<1x16xf32>,
      %mul3A_117 = arith.constant 8 : i32
      %mul3A_118 = arith.muli %scan3A_58, %mul3A_117 : i32
      %add3A_119 = arith.constant 2048 : i32
      %add3A_120 = arith.addi %add3A_119, %mul3A_118 : i32
      %add3A_121 = arith.constant 4 : i32
      %add3A_122 = arith.addi %add3A_120, %add3A_121 : i32
      %get3A_123 = arith.index_cast %add3A_122 : i32 to index
      %get3A_124 = arith.constant 0 : index
      %get3A_125 = tpu.vector_load %arg6[%get3A_123, %get3A_124] {strides = array<i32>} : memref<5120x16xf32, #tpu.memory_space<vmem>>, vector<1x16xf32>,
      %get3A_126 = vector.shape_cast %get3A_125 : vector<1x16xf32> to vector<16xf32>
      %swap3A_127 = arith.index_cast %scan3A_58 : i32 to index
      %swap3A_128 = arith.constant 64 : index
      %swap3A_129 = tpu.vector_load %arg7[%swap3A_127, %swap3A_128] {strides = array<i32>} : memref<128x128xf32, #tpu.memory_space<vmem>>, vector<1x16xf32>,
      %swap3A_130 = vector.shape_cast %swap3A_129 : vector<1x16xf32> to vector<16xf32>
      %swap3A_131 = vector.shape_cast %get3A_126 : vector<16xf32> to vector<1x16xf32>
      tpu.vector_store %arg7[%swap3A_127, %swap3A_128], %swap3A_131 {strides = array<i32>} : memref<128x128xf32, #tpu.memory_space<vmem>>, vector<1x16xf32>,
      %mul3A_132 = arith.constant 8 : i32
      %mul3A_133 = arith.muli %scan3A_58, %mul3A_132 : i32
      %add3A_134 = arith.constant 2048 : i32
      %add3A_135 = arith.addi %add3A_134, %mul3A_133 : i32
      %add3A_136 = arith.constant 5 : i32
      %add3A_137 = arith.addi %add3A_135, %add3A_136 : i32
      %get3A_138 = arith.index_cast %add3A_137 : i32 to index
      %get3A_139 = arith.constant 0 : index
      %get3A_140 = tpu.vector_load %arg6[%get3A_138, %get3A_139] {strides = array<i32>} : memref<5120x16xf32, #tpu.memory_space<vmem>>, vector<1x16xf32>,
      %get3A_141 = vector.shape_cast %get3A_140 : vector<1x16xf32> to vector<16xf32>
      %swap3A_142 = arith.index_cast %scan3A_58 : i32 to index
      %swap3A_143 = arith.constant 80 : index
      %swap3A_144 = tpu.vector_load %arg7[%swap3A_142, %swap3A_143] {strides = array<i32>} : memref<128x128xf32, #tpu.memory_space<vmem>>, vector<1x16xf32>,
      %swap3A_145 = vector.shape_cast %swap3A_144 : vector<1x16xf32> to vector<16xf32>
      %swap3A_146 = vector.shape_cast %get3A_141 : vector<16xf32> to vector<1x16xf32>
      tpu.vector_store %arg7[%swap3A_142, %swap3A_143], %swap3A_146 {strides = array<i32>} : memref<128x128xf32, #tpu.memory_space<vmem>>, vector<1x16xf32>,
      %mul3A_147 = arith.constant 8 : i32
      %mul3A_148 = arith.muli %scan3A_58, %mul3A_147 : i32
      %add3A_149 = arith.constant 2048 : i32
      %add3A_150 = arith.addi %add3A_149, %mul3A_148 : i32
      %add3A_151 = arith.constant 6 : i32
      %add3A_152 = arith.addi %add3A_150, %add3A_151 : i32
      %get3A_153 = arith.index_cast %add3A_152 : i32 to index
      %get3A_154 = arith.constant 0 : index
      %get3A_155 = tpu.vector_load %arg6[%get3A_153, %get3A_154] {strides = array<i32>} : memref<5120x16xf32, #tpu.memory_space<vmem>>, vector<1x16xf32>,
      %get3A_156 = vector.shape_cast %get3A_155 : vector<1x16xf32> to vector<16xf32>
      %swap3A_157 = arith.index_cast %scan3A_58 : i32 to index
      %swap3A_158 = arith.constant 96 : index
      %swap3A_159 = tpu.vector_load %arg7[%swap3A_157, %swap3A_158] {strides = array<i32>} : memref<128x128xf32, #tpu.memory_space<vmem>>, vector<1x16xf32>,
      %swap3A_160 = vector.shape_cast %swap3A_159 : vector<1x16xf32> to vector<16xf32>
      %swap3A_161 = vector.shape_cast %get3A_156 : vector<16xf32> to vector<1x16xf32>
      tpu.vector_store %arg7[%swap3A_157, %swap3A_158], %swap3A_161 {strides = array<i32>} : memref<128x128xf32, #tpu.memory_space<vmem>>, vector<1x16xf32>,
      %mul3A_162 = arith.constant 8 : i32
      %mul3A_163 = arith.muli %scan3A_58, %mul3A_162 : i32
      %add3A_164 = arith.constant 2048 : i32
      %add3A_165 = arith.addi %add3A_164, %mul3A_163 : i32
      %add3A_166 = arith.constant 7 : i32
      %add3A_167 = arith.addi %add3A_165, %add3A_166 : i32
      %get3A_168 = arith.index_cast %add3A_167 : i32 to index
      %get3A_169 = arith.constant 0 : index
      %get3A_170 = tpu.vector_load %arg6[%get3A_168, %get3A_169] {strides = array<i32>} : memref<5120x16xf32, #tpu.memory_space<vmem>>, vector<1x16xf32>,
      %get3A_171 = vector.shape_cast %get3A_170 : vector<1x16xf32> to vector<16xf32>
      %swap3A_172 = arith.index_cast %scan3A_58 : i32 to index
      %swap3A_173 = arith.constant 112 : index
      %swap3A_174 = tpu.vector_load %arg7[%swap3A_172, %swap3A_173] {strides = array<i32>} : memref<128x128xf32, #tpu.memory_space<vmem>>, vector<1x16xf32>,
      %swap3A_175 = vector.shape_cast %swap3A_174 : vector<1x16xf32> to vector<16xf32>
      %swap3A_176 = vector.shape_cast %get3A_171 : vector<16xf32> to vector<1x16xf32>
      tpu.vector_store %arg7[%swap3A_172, %swap3A_173], %swap3A_176 {strides = array<i32>} : memref<128x128xf32, #tpu.memory_space<vmem>>, vector<1x16xf32>,
    }
    %scan3A_33 = arith.constant 128 : i32
    %mul3A_34 = arith.constant 640 : i32
    %mul3A_35 = arith.muli %add3A, %mul3A_34 : i32
    %add3A_36 = arith.constant 256 : i32
    %add3A_37 = arith.addi %mul3A_35, %add3A_36 : i32
    "tpu.region"() ({
      %run_scoped3A = tpu.sem_alloc : memref<!tpu.dma_semaphore, #tpu.memory_space<semaphore_mem>>
      %dma_start3A = arith.constant 0 : i32
      %dma_start3A_58 = tpu.memref_slice %arg4[%add3A_37, %dma_start3A] : memref<20480x128xf32, #tpu.memory_space<hbm>> -> memref<128x128xf32, #tpu.memory_space<hbm>>
      %dma_start3A_59 = arith.constant 0 : i32
      %dma_start3A_60 = tpu.memref_slice %arg4[%add3A_37, %dma_start3A_59] : memref<20480x128xf32, #tpu.memory_space<hbm>> -> memref<128x128xf32, #tpu.memory_space<hbm>>
      tpu.enqueue_dma source(%arg7 : memref<128x128xf32, #tpu.memory_space<vmem>>) target(%dma_start3A_60 : memref<128x128xf32, #tpu.memory_space<hbm>>) target_semaphore(%run_scoped3A : memref<!tpu.dma_semaphore, #tpu.memory_space<semaphore_mem>>)
      %dma_wait3A = arith.constant 0 : i32
      %dma_wait3A_61 = tpu.memref_slice %arg4[%add3A_37, %dma_wait3A] : memref<20480x128xf32, #tpu.memory_space<hbm>> -> memref<128x128xf32, #tpu.memory_space<hbm>>
      %dma_wait3A_62 = arith.constant 0 : i32
      %dma_wait3A_63 = tpu.memref_slice %arg4[%add3A_37, %dma_wait3A_62] : memref<20480x128xf32, #tpu.memory_space<hbm>> -> memref<128x128xf32, #tpu.memory_space<hbm>>
      tpu.wait_dma2 semaphore(%run_scoped3A : memref<!tpu.dma_semaphore, #tpu.memory_space<semaphore_mem>>) src(%arg7 : memref<128x128xf32, #tpu.memory_space<vmem>>) dst(%dma_wait3A_63 : memref<128x128xf32, #tpu.memory_space<hbm>>)
      tpu.yield
    }) : () -> ()
    %scan3A_38 = arith.constant 0 : i32
    %scan3A_39 = arith.constant 0 : i32
    %scan3A_40 = arith.constant 128 : i32
    %scan3A_41 = arith.addi %scan3A_39, %scan3A_40 : i32
    %scan3A_42 = arith.constant 1 : i32
    scf.for %scan3A_58 = %scan3A_39 to %scan3A_41 step %scan3A_42  : i32 {
      %mul3A_59 = arith.constant 8 : i32
      %mul3A_60 = arith.muli %scan3A_58, %mul3A_59 : i32
      %add3A_61 = arith.constant 3072 : i32
      %add3A_62 = arith.addi %add3A_61, %mul3A_60 : i32
      %add3A_63 = arith.constant 0 : i32
      %add3A_64 = arith.addi %add3A_62, %add3A_63 : i32
      %get3A = arith.index_cast %add3A_64 : i32 to index
      %get3A_65 = arith.constant 0 : index
      %get3A_66 = tpu.vector_load %arg6[%get3A, %get3A_65] {strides = array<i32>} : memref<5120x16xf32, #tpu.memory_space<vmem>>, vector<1x16xf32>,
      %get3A_67 = vector.shape_cast %get3A_66 : vector<1x16xf32> to vector<16xf32>
      %swap3A = arith.index_cast %scan3A_58 : i32 to index
      %swap3A_68 = arith.constant 0 : index
      %swap3A_69 = tpu.vector_load %arg7[%swap3A, %swap3A_68] {strides = array<i32>} : memref<128x128xf32, #tpu.memory_space<vmem>>, vector<1x16xf32>,
      %swap3A_70 = vector.shape_cast %swap3A_69 : vector<1x16xf32> to vector<16xf32>
      %swap3A_71 = vector.shape_cast %get3A_67 : vector<16xf32> to vector<1x16xf32>
      tpu.vector_store %arg7[%swap3A, %swap3A_68], %swap3A_71 {strides = array<i32>} : memref<128x128xf32, #tpu.memory_space<vmem>>, vector<1x16xf32>,
      %mul3A_72 = arith.constant 8 : i32
      %mul3A_73 = arith.muli %scan3A_58, %mul3A_72 : i32
      %add3A_74 = arith.constant 3072 : i32
      %add3A_75 = arith.addi %add3A_74, %mul3A_73 : i32
      %add3A_76 = arith.constant 1 : i32
      %add3A_77 = arith.addi %add3A_75, %add3A_76 : i32
      %get3A_78 = arith.index_cast %add3A_77 : i32 to index
      %get3A_79 = arith.constant 0 : index
      %get3A_80 = tpu.vector_load %arg6[%get3A_78, %get3A_79] {strides = array<i32>} : memref<5120x16xf32, #tpu.memory_space<vmem>>, vector<1x16xf32>,
      %get3A_81 = vector.shape_cast %get3A_80 : vector<1x16xf32> to vector<16xf32>
      %swap3A_82 = arith.index_cast %scan3A_58 : i32 to index
      %swap3A_83 = arith.constant 16 : index
      %swap3A_84 = tpu.vector_load %arg7[%swap3A_82, %swap3A_83] {strides = array<i32>} : memref<128x128xf32, #tpu.memory_space<vmem>>, vector<1x16xf32>,
      %swap3A_85 = vector.shape_cast %swap3A_84 : vector<1x16xf32> to vector<16xf32>
      %swap3A_86 = vector.shape_cast %get3A_81 : vector<16xf32> to vector<1x16xf32>
      tpu.vector_store %arg7[%swap3A_82, %swap3A_83], %swap3A_86 {strides = array<i32>} : memref<128x128xf32, #tpu.memory_space<vmem>>, vector<1x16xf32>,
      %mul3A_87 = arith.constant 8 : i32
      %mul3A_88 = arith.muli %scan3A_58, %mul3A_87 : i32
      %add3A_89 = arith.constant 3072 : i32
      %add3A_90 = arith.addi %add3A_89, %mul3A_88 : i32
      %add3A_91 = arith.constant 2 : i32
      %add3A_92 = arith.addi %add3A_90, %add3A_91 : i32
      %get3A_93 = arith.index_cast %add3A_92 : i32 to index
      %get3A_94 = arith.constant 0 : index
      %get3A_95 = tpu.vector_load %arg6[%get3A_93, %get3A_94] {strides = array<i32>} : memref<5120x16xf32, #tpu.memory_space<vmem>>, vector<1x16xf32>,
      %get3A_96 = vector.shape_cast %get3A_95 : vector<1x16xf32> to vector<16xf32>
      %swap3A_97 = arith.index_cast %scan3A_58 : i32 to index
      %swap3A_98 = arith.constant 32 : index
      %swap3A_99 = tpu.vector_load %arg7[%swap3A_97, %swap3A_98] {strides = array<i32>} : memref<128x128xf32, #tpu.memory_space<vmem>>, vector<1x16xf32>,
      %swap3A_100 = vector.shape_cast %swap3A_99 : vector<1x16xf32> to vector<16xf32>
      %swap3A_101 = vector.shape_cast %get3A_96 : vector<16xf32> to vector<1x16xf32>
      tpu.vector_store %arg7[%swap3A_97, %swap3A_98], %swap3A_101 {strides = array<i32>} : memref<128x128xf32, #tpu.memory_space<vmem>>, vector<1x16xf32>,
      %mul3A_102 = arith.constant 8 : i32
      %mul3A_103 = arith.muli %scan3A_58, %mul3A_102 : i32
      %add3A_104 = arith.constant 3072 : i32
      %add3A_105 = arith.addi %add3A_104, %mul3A_103 : i32
      %add3A_106 = arith.constant 3 : i32
      %add3A_107 = arith.addi %add3A_105, %add3A_106 : i32
      %get3A_108 = arith.index_cast %add3A_107 : i32 to index
      %get3A_109 = arith.constant 0 : index
      %get3A_110 = tpu.vector_load %arg6[%get3A_108, %get3A_109] {strides = array<i32>} : memref<5120x16xf32, #tpu.memory_space<vmem>>, vector<1x16xf32>,
      %get3A_111 = vector.shape_cast %get3A_110 : vector<1x16xf32> to vector<16xf32>
      %swap3A_112 = arith.index_cast %scan3A_58 : i32 to index
      %swap3A_113 = arith.constant 48 : index
      %swap3A_114 = tpu.vector_load %arg7[%swap3A_112, %swap3A_113] {strides = array<i32>} : memref<128x128xf32, #tpu.memory_space<vmem>>, vector<1x16xf32>,
      %swap3A_115 = vector.shape_cast %swap3A_114 : vector<1x16xf32> to vector<16xf32>
      %swap3A_116 = vector.shape_cast %get3A_111 : vector<16xf32> to vector<1x16xf32>
      tpu.vector_store %arg7[%swap3A_112, %swap3A_113], %swap3A_116 {strides = array<i32>} : memref<128x128xf32, #tpu.memory_space<vmem>>, vector<1x16xf32>,
      %mul3A_117 = arith.constant 8 : i32
      %mul3A_118 = arith.muli %scan3A_58, %mul3A_117 : i32
      %add3A_119 = arith.constant 3072 : i32
      %add3A_120 = arith.addi %add3A_119, %mul3A_118 : i32
      %add3A_121 = arith.constant 4 : i32
      %add3A_122 = arith.addi %add3A_120, %add3A_121 : i32
      %get3A_123 = arith.index_cast %add3A_122 : i32 to index
      %get3A_124 = arith.constant 0 : index
      %get3A_125 = tpu.vector_load %arg6[%get3A_123, %get3A_124] {strides = array<i32>} : memref<5120x16xf32, #tpu.memory_space<vmem>>, vector<1x16xf32>,
      %get3A_126 = vector.shape_cast %get3A_125 : vector<1x16xf32> to vector<16xf32>
      %swap3A_127 = arith.index_cast %scan3A_58 : i32 to index
      %swap3A_128 = arith.constant 64 : index
      %swap3A_129 = tpu.vector_load %arg7[%swap3A_127, %swap3A_128] {strides = array<i32>} : memref<128x128xf32, #tpu.memory_space<vmem>>, vector<1x16xf32>,
      %swap3A_130 = vector.shape_cast %swap3A_129 : vector<1x16xf32> to vector<16xf32>
      %swap3A_131 = vector.shape_cast %get3A_126 : vector<16xf32> to vector<1x16xf32>
      tpu.vector_store %arg7[%swap3A_127, %swap3A_128], %swap3A_131 {strides = array<i32>} : memref<128x128xf32, #tpu.memory_space<vmem>>, vector<1x16xf32>,
      %mul3A_132 = arith.constant 8 : i32
      %mul3A_133 = arith.muli %scan3A_58, %mul3A_132 : i32
      %add3A_134 = arith.constant 3072 : i32
      %add3A_135 = arith.addi %add3A_134, %mul3A_133 : i32
      %add3A_136 = arith.constant 5 : i32
      %add3A_137 = arith.addi %add3A_135, %add3A_136 : i32
      %get3A_138 = arith.index_cast %add3A_137 : i32 to index
      %get3A_139 = arith.constant 0 : index
      %get3A_140 = tpu.vector_load %arg6[%get3A_138, %get3A_139] {strides = array<i32>} : memref<5120x16xf32, #tpu.memory_space<vmem>>, vector<1x16xf32>,
      %get3A_141 = vector.shape_cast %get3A_140 : vector<1x16xf32> to vector<16xf32>
      %swap3A_142 = arith.index_cast %scan3A_58 : i32 to index
      %swap3A_143 = arith.constant 80 : index
      %swap3A_144 = tpu.vector_load %arg7[%swap3A_142, %swap3A_143] {strides = array<i32>} : memref<128x128xf32, #tpu.memory_space<vmem>>, vector<1x16xf32>,
      %swap3A_145 = vector.shape_cast %swap3A_144 : vector<1x16xf32> to vector<16xf32>
      %swap3A_146 = vector.shape_cast %get3A_141 : vector<16xf32> to vector<1x16xf32>
      tpu.vector_store %arg7[%swap3A_142, %swap3A_143], %swap3A_146 {strides = array<i32>} : memref<128x128xf32, #tpu.memory_space<vmem>>, vector<1x16xf32>,
      %mul3A_147 = arith.constant 8 : i32
      %mul3A_148 = arith.muli %scan3A_58, %mul3A_147 : i32
      %add3A_149 = arith.constant 3072 : i32
      %add3A_150 = arith.addi %add3A_149, %mul3A_148 : i32
      %add3A_151 = arith.constant 6 : i32
      %add3A_152 = arith.addi %add3A_150, %add3A_151 : i32
      %get3A_153 = arith.index_cast %add3A_152 : i32 to index
      %get3A_154 = arith.constant 0 : index
      %get3A_155 = tpu.vector_load %arg6[%get3A_153, %get3A_154] {strides = array<i32>} : memref<5120x16xf32, #tpu.memory_space<vmem>>, vector<1x16xf32>,
      %get3A_156 = vector.shape_cast %get3A_155 : vector<1x16xf32> to vector<16xf32>
      %swap3A_157 = arith.index_cast %scan3A_58 : i32 to index
      %swap3A_158 = arith.constant 96 : index
      %swap3A_159 = tpu.vector_load %arg7[%swap3A_157, %swap3A_158] {strides = array<i32>} : memref<128x128xf32, #tpu.memory_space<vmem>>, vector<1x16xf32>,
      %swap3A_160 = vector.shape_cast %swap3A_159 : vector<1x16xf32> to vector<16xf32>
      %swap3A_161 = vector.shape_cast %get3A_156 : vector<16xf32> to vector<1x16xf32>
      tpu.vector_store %arg7[%swap3A_157, %swap3A_158], %swap3A_161 {strides = array<i32>} : memref<128x128xf32, #tpu.memory_space<vmem>>, vector<1x16xf32>,
      %mul3A_162 = arith.constant 8 : i32
      %mul3A_163 = arith.muli %scan3A_58, %mul3A_162 : i32
      %add3A_164 = arith.constant 3072 : i32
      %add3A_165 = arith.addi %add3A_164, %mul3A_163 : i32
      %add3A_166 = arith.constant 7 : i32
      %add3A_167 = arith.addi %add3A_165, %add3A_166 : i32
      %get3A_168 = arith.index_cast %add3A_167 : i32 to index
      %get3A_169 = arith.constant 0 : index
      %get3A_170 = tpu.vector_load %arg6[%get3A_168, %get3A_169] {strides = array<i32>} : memref<5120x16xf32, #tpu.memory_space<vmem>>, vector<1x16xf32>,
      %get3A_171 = vector.shape_cast %get3A_170 : vector<1x16xf32> to vector<16xf32>
      %swap3A_172 = arith.index_cast %scan3A_58 : i32 to index
      %swap3A_173 = arith.constant 112 : index
      %swap3A_174 = tpu.vector_load %arg7[%swap3A_172, %swap3A_173] {strides = array<i32>} : memref<128x128xf32, #tpu.memory_space<vmem>>, vector<1x16xf32>,
      %swap3A_175 = vector.shape_cast %swap3A_174 : vector<1x16xf32> to vector<16xf32>
      %swap3A_176 = vector.shape_cast %get3A_171 : vector<16xf32> to vector<1x16xf32>
      tpu.vector_store %arg7[%swap3A_172, %swap3A_173], %swap3A_176 {strides = array<i32>} : memref<128x128xf32, #tpu.memory_space<vmem>>, vector<1x16xf32>,
    }
    %scan3A_43 = arith.constant 128 : i32
    %mul3A_44 = arith.constant 640 : i32
    %mul3A_45 = arith.muli %add3A, %mul3A_44 : i32
    %add3A_46 = arith.constant 384 : i32
    %add3A_47 = arith.addi %mul3A_45, %add3A_46 : i32
    "tpu.region"() ({
      %run_scoped3A = tpu.sem_alloc : memref<!tpu.dma_semaphore, #tpu.memory_space<semaphore_mem>>
      %dma_start3A = arith.constant 0 : i32
      %dma_start3A_58 = tpu.memref_slice %arg4[%add3A_47, %dma_start3A] : memref<20480x128xf32, #tpu.memory_space<hbm>> -> memref<128x128xf32, #tpu.memory_space<hbm>>
      %dma_start3A_59 = arith.constant 0 : i32
      %dma_start3A_60 = tpu.memref_slice %arg4[%add3A_47, %dma_start3A_59] : memref<20480x128xf32, #tpu.memory_space<hbm>> -> memref<128x128xf32, #tpu.memory_space<hbm>>
      tpu.enqueue_dma source(%arg7 : memref<128x128xf32, #tpu.memory_space<vmem>>) target(%dma_start3A_60 : memref<128x128xf32, #tpu.memory_space<hbm>>) target_semaphore(%run_scoped3A : memref<!tpu.dma_semaphore, #tpu.memory_space<semaphore_mem>>)
      %dma_wait3A = arith.constant 0 : i32
      %dma_wait3A_61 = tpu.memref_slice %arg4[%add3A_47, %dma_wait3A] : memref<20480x128xf32, #tpu.memory_space<hbm>> -> memref<128x128xf32, #tpu.memory_space<hbm>>
      %dma_wait3A_62 = arith.constant 0 : i32
      %dma_wait3A_63 = tpu.memref_slice %arg4[%add3A_47, %dma_wait3A_62] : memref<20480x128xf32, #tpu.memory_space<hbm>> -> memref<128x128xf32, #tpu.memory_space<hbm>>
      tpu.wait_dma2 semaphore(%run_scoped3A : memref<!tpu.dma_semaphore, #tpu.memory_space<semaphore_mem>>) src(%arg7 : memref<128x128xf32, #tpu.memory_space<vmem>>) dst(%dma_wait3A_63 : memref<128x128xf32, #tpu.memory_space<hbm>>)
      tpu.yield
    }) : () -> ()
    %scan3A_48 = arith.constant 0 : i32
    %scan3A_49 = arith.constant 0 : i32
    %scan3A_50 = arith.constant 128 : i32
    %scan3A_51 = arith.addi %scan3A_49, %scan3A_50 : i32
    %scan3A_52 = arith.constant 1 : i32
    scf.for %scan3A_58 = %scan3A_49 to %scan3A_51 step %scan3A_52  : i32 {
      %mul3A_59 = arith.constant 8 : i32
      %mul3A_60 = arith.muli %scan3A_58, %mul3A_59 : i32
      %add3A_61 = arith.constant 4096 : i32
      %add3A_62 = arith.addi %add3A_61, %mul3A_60 : i32
      %add3A_63 = arith.constant 0 : i32
      %add3A_64 = arith.addi %add3A_62, %add3A_63 : i32
      %get3A = arith.index_cast %add3A_64 : i32 to index
      %get3A_65 = arith.constant 0 : index
      %get3A_66 = tpu.vector_load %arg6[%get3A, %get3A_65] {strides = array<i32>} : memref<5120x16xf32, #tpu.memory_space<vmem>>, vector<1x16xf32>,
      %get3A_67 = vector.shape_cast %get3A_66 : vector<1x16xf32> to vector<16xf32>
      %swap3A = arith.index_cast %scan3A_58 : i32 to index
      %swap3A_68 = arith.constant 0 : index
      %swap3A_69 = tpu.vector_load %arg7[%swap3A, %swap3A_68] {strides = array<i32>} : memref<128x128xf32, #tpu.memory_space<vmem>>, vector<1x16xf32>,
      %swap3A_70 = vector.shape_cast %swap3A_69 : vector<1x16xf32> to vector<16xf32>
      %swap3A_71 = vector.shape_cast %get3A_67 : vector<16xf32> to vector<1x16xf32>
      tpu.vector_store %arg7[%swap3A, %swap3A_68], %swap3A_71 {strides = array<i32>} : memref<128x128xf32, #tpu.memory_space<vmem>>, vector<1x16xf32>,
      %mul3A_72 = arith.constant 8 : i32
      %mul3A_73 = arith.muli %scan3A_58, %mul3A_72 : i32
      %add3A_74 = arith.constant 4096 : i32
      %add3A_75 = arith.addi %add3A_74, %mul3A_73 : i32
      %add3A_76 = arith.constant 1 : i32
      %add3A_77 = arith.addi %add3A_75, %add3A_76 : i32
      %get3A_78 = arith.index_cast %add3A_77 : i32 to index
      %get3A_79 = arith.constant 0 : index
      %get3A_80 = tpu.vector_load %arg6[%get3A_78, %get3A_79] {strides = array<i32>} : memref<5120x16xf32, #tpu.memory_space<vmem>>, vector<1x16xf32>,
      %get3A_81 = vector.shape_cast %get3A_80 : vector<1x16xf32> to vector<16xf32>
      %swap3A_82 = arith.index_cast %scan3A_58 : i32 to index
      %swap3A_83 = arith.constant 16 : index
      %swap3A_84 = tpu.vector_load %arg7[%swap3A_82, %swap3A_83] {strides = array<i32>} : memref<128x128xf32, #tpu.memory_space<vmem>>, vector<1x16xf32>,
      %swap3A_85 = vector.shape_cast %swap3A_84 : vector<1x16xf32> to vector<16xf32>
      %swap3A_86 = vector.shape_cast %get3A_81 : vector<16xf32> to vector<1x16xf32>
      tpu.vector_store %arg7[%swap3A_82, %swap3A_83], %swap3A_86 {strides = array<i32>} : memref<128x128xf32, #tpu.memory_space<vmem>>, vector<1x16xf32>,
      %mul3A_87 = arith.constant 8 : i32
      %mul3A_88 = arith.muli %scan3A_58, %mul3A_87 : i32
      %add3A_89 = arith.constant 4096 : i32
      %add3A_90 = arith.addi %add3A_89, %mul3A_88 : i32
      %add3A_91 = arith.constant 2 : i32
      %add3A_92 = arith.addi %add3A_90, %add3A_91 : i32
      %get3A_93 = arith.index_cast %add3A_92 : i32 to index
      %get3A_94 = arith.constant 0 : index
      %get3A_95 = tpu.vector_load %arg6[%get3A_93, %get3A_94] {strides = array<i32>} : memref<5120x16xf32, #tpu.memory_space<vmem>>, vector<1x16xf32>,
      %get3A_96 = vector.shape_cast %get3A_95 : vector<1x16xf32> to vector<16xf32>
      %swap3A_97 = arith.index_cast %scan3A_58 : i32 to index
      %swap3A_98 = arith.constant 32 : index
      %swap3A_99 = tpu.vector_load %arg7[%swap3A_97, %swap3A_98] {strides = array<i32>} : memref<128x128xf32, #tpu.memory_space<vmem>>, vector<1x16xf32>,
      %swap3A_100 = vector.shape_cast %swap3A_99 : vector<1x16xf32> to vector<16xf32>
      %swap3A_101 = vector.shape_cast %get3A_96 : vector<16xf32> to vector<1x16xf32>
      tpu.vector_store %arg7[%swap3A_97, %swap3A_98], %swap3A_101 {strides = array<i32>} : memref<128x128xf32, #tpu.memory_space<vmem>>, vector<1x16xf32>,
      %mul3A_102 = arith.constant 8 : i32
      %mul3A_103 = arith.muli %scan3A_58, %mul3A_102 : i32
      %add3A_104 = arith.constant 4096 : i32
      %add3A_105 = arith.addi %add3A_104, %mul3A_103 : i32
      %add3A_106 = arith.constant 3 : i32
      %add3A_107 = arith.addi %add3A_105, %add3A_106 : i32
      %get3A_108 = arith.index_cast %add3A_107 : i32 to index
      %get3A_109 = arith.constant 0 : index
      %get3A_110 = tpu.vector_load %arg6[%get3A_108, %get3A_109] {strides = array<i32>} : memref<5120x16xf32, #tpu.memory_space<vmem>>, vector<1x16xf32>,
      %get3A_111 = vector.shape_cast %get3A_110 : vector<1x16xf32> to vector<16xf32>
      %swap3A_112 = arith.index_cast %scan3A_58 : i32 to index
      %swap3A_113 = arith.constant 48 : index
      %swap3A_114 = tpu.vector_load %arg7[%swap3A_112, %swap3A_113] {strides = array<i32>} : memref<128x128xf32, #tpu.memory_space<vmem>>, vector<1x16xf32>,
      %swap3A_115 = vector.shape_cast %swap3A_114 : vector<1x16xf32> to vector<16xf32>
      %swap3A_116 = vector.shape_cast %get3A_111 : vector<16xf32> to vector<1x16xf32>
      tpu.vector_store %arg7[%swap3A_112, %swap3A_113], %swap3A_116 {strides = array<i32>} : memref<128x128xf32, #tpu.memory_space<vmem>>, vector<1x16xf32>,
      %mul3A_117 = arith.constant 8 : i32
      %mul3A_118 = arith.muli %scan3A_58, %mul3A_117 : i32
      %add3A_119 = arith.constant 4096 : i32
      %add3A_120 = arith.addi %add3A_119, %mul3A_118 : i32
      %add3A_121 = arith.constant 4 : i32
      %add3A_122 = arith.addi %add3A_120, %add3A_121 : i32
      %get3A_123 = arith.index_cast %add3A_122 : i32 to index
      %get3A_124 = arith.constant 0 : index
      %get3A_125 = tpu.vector_load %arg6[%get3A_123, %get3A_124] {strides = array<i32>} : memref<5120x16xf32, #tpu.memory_space<vmem>>, vector<1x16xf32>,
      %get3A_126 = vector.shape_cast %get3A_125 : vector<1x16xf32> to vector<16xf32>
      %swap3A_127 = arith.index_cast %scan3A_58 : i32 to index
      %swap3A_128 = arith.constant 64 : index
      %swap3A_129 = tpu.vector_load %arg7[%swap3A_127, %swap3A_128] {strides = array<i32>} : memref<128x128xf32, #tpu.memory_space<vmem>>, vector<1x16xf32>,
      %swap3A_130 = vector.shape_cast %swap3A_129 : vector<1x16xf32> to vector<16xf32>
      %swap3A_131 = vector.shape_cast %get3A_126 : vector<16xf32> to vector<1x16xf32>
      tpu.vector_store %arg7[%swap3A_127, %swap3A_128], %swap3A_131 {strides = array<i32>} : memref<128x128xf32, #tpu.memory_space<vmem>>, vector<1x16xf32>,
      %mul3A_132 = arith.constant 8 : i32
      %mul3A_133 = arith.muli %scan3A_58, %mul3A_132 : i32
      %add3A_134 = arith.constant 4096 : i32
      %add3A_135 = arith.addi %add3A_134, %mul3A_133 : i32
      %add3A_136 = arith.constant 5 : i32
      %add3A_137 = arith.addi %add3A_135, %add3A_136 : i32
      %get3A_138 = arith.index_cast %add3A_137 : i32 to index
      %get3A_139 = arith.constant 0 : index
      %get3A_140 = tpu.vector_load %arg6[%get3A_138, %get3A_139] {strides = array<i32>} : memref<5120x16xf32, #tpu.memory_space<vmem>>, vector<1x16xf32>,
      %get3A_141 = vector.shape_cast %get3A_140 : vector<1x16xf32> to vector<16xf32>
      %swap3A_142 = arith.index_cast %scan3A_58 : i32 to index
      %swap3A_143 = arith.constant 80 : index
      %swap3A_144 = tpu.vector_load %arg7[%swap3A_142, %swap3A_143] {strides = array<i32>} : memref<128x128xf32, #tpu.memory_space<vmem>>, vector<1x16xf32>,
      %swap3A_145 = vector.shape_cast %swap3A_144 : vector<1x16xf32> to vector<16xf32>
      %swap3A_146 = vector.shape_cast %get3A_141 : vector<16xf32> to vector<1x16xf32>
      tpu.vector_store %arg7[%swap3A_142, %swap3A_143], %swap3A_146 {strides = array<i32>} : memref<128x128xf32, #tpu.memory_space<vmem>>, vector<1x16xf32>,
      %mul3A_147 = arith.constant 8 : i32
      %mul3A_148 = arith.muli %scan3A_58, %mul3A_147 : i32
      %add3A_149 = arith.constant 4096 : i32
      %add3A_150 = arith.addi %add3A_149, %mul3A_148 : i32
      %add3A_151 = arith.constant 6 : i32
      %add3A_152 = arith.addi %add3A_150, %add3A_151 : i32
      %get3A_153 = arith.index_cast %add3A_152 : i32 to index
      %get3A_154 = arith.constant 0 : index
      %get3A_155 = tpu.vector_load %arg6[%get3A_153, %get3A_154] {strides = array<i32>} : memref<5120x16xf32, #tpu.memory_space<vmem>>, vector<1x16xf32>,
      %get3A_156 = vector.shape_cast %get3A_155 : vector<1x16xf32> to vector<16xf32>
      %swap3A_157 = arith.index_cast %scan3A_58 : i32 to index
      %swap3A_158 = arith.constant 96 : index
      %swap3A_159 = tpu.vector_load %arg7[%swap3A_157, %swap3A_158] {strides = array<i32>} : memref<128x128xf32, #tpu.memory_space<vmem>>, vector<1x16xf32>,
      %swap3A_160 = vector.shape_cast %swap3A_159 : vector<1x16xf32> to vector<16xf32>
      %swap3A_161 = vector.shape_cast %get3A_156 : vector<16xf32> to vector<1x16xf32>
      tpu.vector_store %arg7[%swap3A_157, %swap3A_158], %swap3A_161 {strides = array<i32>} : memref<128x128xf32, #tpu.memory_space<vmem>>, vector<1x16xf32>,
      %mul3A_162 = arith.constant 8 : i32
      %mul3A_163 = arith.muli %scan3A_58, %mul3A_162 : i32
      %add3A_164 = arith.constant 4096 : i32
      %add3A_165 = arith.addi %add3A_164, %mul3A_163 : i32
      %add3A_166 = arith.constant 7 : i32
      %add3A_167 = arith.addi %add3A_165, %add3A_166 : i32
      %get3A_168 = arith.index_cast %add3A_167 : i32 to index
      %get3A_169 = arith.constant 0 : index
      %get3A_170 = tpu.vector_load %arg6[%get3A_168, %get3A_169] {strides = array<i32>} : memref<5120x16xf32, #tpu.memory_space<vmem>>, vector<1x16xf32>,
      %get3A_171 = vector.shape_cast %get3A_170 : vector<1x16xf32> to vector<16xf32>
      %swap3A_172 = arith.index_cast %scan3A_58 : i32 to index
      %swap3A_173 = arith.constant 112 : index
      %swap3A_174 = tpu.vector_load %arg7[%swap3A_172, %swap3A_173] {strides = array<i32>} : memref<128x128xf32, #tpu.memory_space<vmem>>, vector<1x16xf32>,
      %swap3A_175 = vector.shape_cast %swap3A_174 : vector<1x16xf32> to vector<16xf32>
      %swap3A_176 = vector.shape_cast %get3A_171 : vector<16xf32> to vector<1x16xf32>
      tpu.vector_store %arg7[%swap3A_172, %swap3A_173], %swap3A_176 {strides = array<i32>} : memref<128x128xf32, #tpu.memory_space<vmem>>, vector<1x16xf32>,
    }
    %scan3A_53 = arith.constant 128 : i32
    %mul3A_54 = arith.constant 640 : i32
    %mul3A_55 = arith.muli %add3A, %mul3A_54 : i32
    %add3A_56 = arith.constant 512 : i32
    %add3A_57 = arith.addi %mul3A_55, %add3A_56 : i32
    "tpu.region"() ({
      %run_scoped3A = tpu.sem_alloc : memref<!tpu.dma_semaphore, #tpu.memory_space<semaphore_mem>>
      %dma_start3A = arith.constant 0 : i32
      %dma_start3A_58 = tpu.memref_slice %arg4[%add3A_57, %dma_start3A] : memref<20480x128xf32, #tpu.memory_space<hbm>> -> memref<128x128xf32, #tpu.memory_space<hbm>>
      %dma_start3A_59 = arith.constant 0 : i32
      %dma_start3A_60 = tpu.memref_slice %arg4[%add3A_57, %dma_start3A_59] : memref<20480x128xf32, #tpu.memory_space<hbm>> -> memref<128x128xf32, #tpu.memory_space<hbm>>
      tpu.enqueue_dma source(%arg7 : memref<128x128xf32, #tpu.memory_space<vmem>>) target(%dma_start3A_60 : memref<128x128xf32, #tpu.memory_space<hbm>>) target_semaphore(%run_scoped3A : memref<!tpu.dma_semaphore, #tpu.memory_space<semaphore_mem>>)
      %dma_wait3A = arith.constant 0 : i32
      %dma_wait3A_61 = tpu.memref_slice %arg4[%add3A_57, %dma_wait3A] : memref<20480x128xf32, #tpu.memory_space<hbm>> -> memref<128x128xf32, #tpu.memory_space<hbm>>
      %dma_wait3A_62 = arith.constant 0 : i32
      %dma_wait3A_63 = tpu.memref_slice %arg4[%add3A_57, %dma_wait3A_62] : memref<20480x128xf32, #tpu.memory_space<hbm>> -> memref<128x128xf32, #tpu.memory_space<hbm>>
      tpu.wait_dma2 semaphore(%run_scoped3A : memref<!tpu.dma_semaphore, #tpu.memory_space<semaphore_mem>>) src(%arg7 : memref<128x128xf32, #tpu.memory_space<vmem>>) dst(%dma_wait3A_63 : memref<128x128xf32, #tpu.memory_space<hbm>>)
      tpu.yield
    }) : () -> ()
    return
  }
}

module attributes {stable_mosaic.version = 14 : i64} {
  func.func @_tc_body(%arg0: i32, %arg1: memref<80x16x192xf32, #tpu.memory_space<vmem>>, %arg2: memref<80x16x16xf32, #tpu.memory_space<vmem>>, %arg3: memref<1x64xf32, #tpu.memory_space<vmem>>, %arg4: memref<4x80x64xf32, #tpu.memory_space<vmem>>) attributes {dimension_semantics = [#tpu.dimension_semantics<arbitrary>], iteration_bounds = array<i64: 125>, scalar_prefetch = 0 : i64, scratch_operands = 0 : i64, tpu.core_type = #tpu.core_type<tc>, window_params = [{transform_indices = @transform_0, window_bounds = array<i64: 80, 16, 192>}, {transform_indices = @transform_1, window_bounds = array<i64: 80, 16, 16>}, {pipeline_mode = #tpu.pipeline_mode<synchronous>, transform_indices = @transform_2, window_bounds = array<i64: 1, 64>}, {transform_indices = @transform_3, window_bounds = array<i64: 4, 80, 64>}]} {
    %get3A = arith.constant 0 : index
    %get3A_0 = arith.constant 0 : index
    %get3A_1 = arith.constant 0 : index
    %get3A_2 = vector.load %arg1[%get3A, %get3A_0, %get3A_1] : memref<80x16x192xf32, #tpu.memory_space<vmem>>, vector<80x16x192xf32>
    %get3A_3 = arith.constant 0 : index
    %get3A_4 = arith.constant 0 : index
    %get3A_5 = arith.constant 0 : index
    %get3A_6 = vector.load %arg2[%get3A_3, %get3A_4, %get3A_5] : memref<80x16x16xf32, #tpu.memory_space<vmem>>, vector<80x16x16xf32>
    %iota3A = tpu.iota {dimensions = array<i32: 2>} : vector<1x1x192xi32>
    %jit3A = arith.constant 3 : i32
    %eq3A = arith.constant 0 : i32
    %eq3A_7 = arith.cmpi eq, %jit3A, %eq3A : i32
    %jit3A_8 = arith.constant 1 : i32
    %select_n3A = arith.select %eq3A_7, %jit3A_8, %jit3A : i32
    %rem3A = vector.broadcast %select_n3A : i32 to vector<1x1x192xi32>
    %rem3A_9 = arith.remsi %iota3A, %rem3A : vector<1x1x192xi32>
    %ne3A = arith.constant 0 : i32
    %ne3A_10 = vector.broadcast %ne3A : i32 to vector<1x1x192xi32>
    %ne3A_11 = arith.cmpi ne, %rem3A_9, %ne3A_10 : vector<1x1x192xi32>
    %lt3A = arith.constant 0 : i32
    %lt3A_12 = vector.broadcast %lt3A : i32 to vector<1x1x192xi32>
    %lt3A_13 = arith.cmpi slt, %rem3A_9, %lt3A_12 : vector<1x1x192xi32>
    %lt3A_14 = arith.constant 0 : i32
    %lt3A_15 = arith.cmpi slt, %select_n3A, %lt3A_14 : i32
    %ne3A_16 = vector.broadcast %lt3A_15 : i1 to vector<1x1x192xi1>
    %ne3A_17 = vector.broadcast %ne3A_16 : vector<1x1x192xi1> to vector<1x1x192xi1>
    %ne3A_18 = arith.xori %lt3A_13, %ne3A_17 : vector<1x1x192xi1>
    %and3A = arith.andi %ne3A_18, %ne3A_11 : vector<1x1x192xi1>
    %add3A = vector.broadcast %select_n3A : i32 to vector<1x1x192xi32>
    %add3A_19 = arith.addi %rem3A_9, %add3A : vector<1x1x192xi32>
    %select_n3A_20 = arith.select %and3A, %add3A_19, %rem3A_9 : vector<1x1x192xi1>, vector<1x1x192xi32>
    %slice3A = vector.extract_strided_slice %get3A_6 {offsets = [0, 0, 0], sizes = [80, 16, 1], strides = [1, 1, 1]} : vector<80x16x16xf32> to vector<80x16x1xf32>
    %squeeze3A = vector.shape_cast %slice3A : vector<80x16x1xf32> to vector<80x16xf32>
    %broadcast_in_dim3A = vector.shape_cast %squeeze3A : vector<80x16xf32> to vector<80x16x1xf32>
    %broadcast_in_dim3A_21 = vector.shape_cast %broadcast_in_dim3A : vector<80x16x1xf32> to vector<80x16x1xf32>
    %broadcast_in_dim3A_22 = vector.broadcast %broadcast_in_dim3A_21 : vector<80x16x1xf32> to vector<80x16x192xf32>
    %slice3A_23 = vector.extract_strided_slice %get3A_6 {offsets = [0, 0, 1], sizes = [80, 16, 1], strides = [1, 1, 1]} : vector<80x16x16xf32> to vector<80x16x1xf32>
    %squeeze3A_24 = vector.shape_cast %slice3A_23 : vector<80x16x1xf32> to vector<80x16xf32>
    %broadcast_in_dim3A_25 = vector.shape_cast %squeeze3A_24 : vector<80x16xf32> to vector<80x16x1xf32>
    %broadcast_in_dim3A_26 = vector.shape_cast %broadcast_in_dim3A_25 : vector<80x16x1xf32> to vector<80x16x1xf32>
    %broadcast_in_dim3A_27 = vector.broadcast %broadcast_in_dim3A_26 : vector<80x16x1xf32> to vector<80x16x192xf32>
    %slice3A_28 = vector.extract_strided_slice %get3A_6 {offsets = [0, 0, 2], sizes = [80, 16, 1], strides = [1, 1, 1]} : vector<80x16x16xf32> to vector<80x16x1xf32>
    %squeeze3A_29 = vector.shape_cast %slice3A_28 : vector<80x16x1xf32> to vector<80x16xf32>
    %broadcast_in_dim3A_30 = vector.shape_cast %squeeze3A_29 : vector<80x16xf32> to vector<80x16x1xf32>
    %broadcast_in_dim3A_31 = vector.shape_cast %broadcast_in_dim3A_30 : vector<80x16x1xf32> to vector<80x16x1xf32>
    %broadcast_in_dim3A_32 = vector.broadcast %broadcast_in_dim3A_31 : vector<80x16x1xf32> to vector<80x16x192xf32>
    %eq3A_33 = arith.constant 1 : i32
    %eq3A_34 = vector.broadcast %eq3A_33 : i32 to vector<1x1x192xi32>
    %eq3A_35 = arith.cmpi eq, %select_n3A_20, %eq3A_34 : vector<1x1x192xi32>
    %broadcast_in_dim3A_36 = vector.shape_cast %eq3A_35 : vector<1x1x192xi1> to vector<1x1x192xi1>
    %broadcast_in_dim3A_37 = vector.broadcast %broadcast_in_dim3A_36 : vector<1x1x192xi1> to vector<80x16x192xi1>
    %select_n3A_38 = arith.select %broadcast_in_dim3A_37, %broadcast_in_dim3A_27, %broadcast_in_dim3A_32 : vector<80x16x192xi1>, vector<80x16x192xf32>
    %eq3A_39 = arith.constant 0 : i32
    %eq3A_40 = vector.broadcast %eq3A_39 : i32 to vector<1x1x192xi32>
    %eq3A_41 = arith.cmpi eq, %select_n3A_20, %eq3A_40 : vector<1x1x192xi32>
    %broadcast_in_dim3A_42 = vector.shape_cast %eq3A_41 : vector<1x1x192xi1> to vector<1x1x192xi1>
    %broadcast_in_dim3A_43 = vector.broadcast %broadcast_in_dim3A_42 : vector<1x1x192xi1> to vector<80x16x192xi1>
    %select_n3A_44 = arith.select %broadcast_in_dim3A_43, %broadcast_in_dim3A_22, %select_n3A_38 : vector<80x16x192xi1>, vector<80x16x192xf32>
    %mul3A = arith.mulf %get3A_2, %select_n3A_44 : vector<80x16x192xf32>
    %slice3A_45 = vector.extract_strided_slice %get3A_6 {offsets = [0, 0, 3], sizes = [80, 16, 1], strides = [1, 1, 1]} : vector<80x16x16xf32> to vector<80x16x1xf32>
    %squeeze3A_46 = vector.shape_cast %slice3A_45 : vector<80x16x1xf32> to vector<80x16xf32>
    %broadcast_in_dim3A_47 = vector.shape_cast %squeeze3A_46 : vector<80x16xf32> to vector<80x16x1xf32>
    %broadcast_in_dim3A_48 = vector.shape_cast %broadcast_in_dim3A_47 : vector<80x16x1xf32> to vector<80x16x1xf32>
    %broadcast_in_dim3A_49 = vector.broadcast %broadcast_in_dim3A_48 : vector<80x16x1xf32> to vector<80x16x192xf32>
    %slice3A_50 = vector.extract_strided_slice %get3A_6 {offsets = [0, 0, 4], sizes = [80, 16, 1], strides = [1, 1, 1]} : vector<80x16x16xf32> to vector<80x16x1xf32>
    %squeeze3A_51 = vector.shape_cast %slice3A_50 : vector<80x16x1xf32> to vector<80x16xf32>
    %broadcast_in_dim3A_52 = vector.shape_cast %squeeze3A_51 : vector<80x16xf32> to vector<80x16x1xf32>
    %broadcast_in_dim3A_53 = vector.shape_cast %broadcast_in_dim3A_52 : vector<80x16x1xf32> to vector<80x16x1xf32>
    %broadcast_in_dim3A_54 = vector.broadcast %broadcast_in_dim3A_53 : vector<80x16x1xf32> to vector<80x16x192xf32>
    %slice3A_55 = vector.extract_strided_slice %get3A_6 {offsets = [0, 0, 5], sizes = [80, 16, 1], strides = [1, 1, 1]} : vector<80x16x16xf32> to vector<80x16x1xf32>
    %squeeze3A_56 = vector.shape_cast %slice3A_55 : vector<80x16x1xf32> to vector<80x16xf32>
    %broadcast_in_dim3A_57 = vector.shape_cast %squeeze3A_56 : vector<80x16xf32> to vector<80x16x1xf32>
    %broadcast_in_dim3A_58 = vector.shape_cast %broadcast_in_dim3A_57 : vector<80x16x1xf32> to vector<80x16x1xf32>
    %broadcast_in_dim3A_59 = vector.broadcast %broadcast_in_dim3A_58 : vector<80x16x1xf32> to vector<80x16x192xf32>
    %eq3A_60 = arith.constant 1 : i32
    %eq3A_61 = vector.broadcast %eq3A_60 : i32 to vector<1x1x192xi32>
    %eq3A_62 = arith.cmpi eq, %select_n3A_20, %eq3A_61 : vector<1x1x192xi32>
    %broadcast_in_dim3A_63 = vector.shape_cast %eq3A_62 : vector<1x1x192xi1> to vector<1x1x192xi1>
    %broadcast_in_dim3A_64 = vector.broadcast %broadcast_in_dim3A_63 : vector<1x1x192xi1> to vector<80x16x192xi1>
    %select_n3A_65 = arith.select %broadcast_in_dim3A_64, %broadcast_in_dim3A_54, %broadcast_in_dim3A_59 : vector<80x16x192xi1>, vector<80x16x192xf32>
    %eq3A_66 = arith.constant 0 : i32
    %eq3A_67 = vector.broadcast %eq3A_66 : i32 to vector<1x1x192xi32>
    %eq3A_68 = arith.cmpi eq, %select_n3A_20, %eq3A_67 : vector<1x1x192xi32>
    %broadcast_in_dim3A_69 = vector.shape_cast %eq3A_68 : vector<1x1x192xi1> to vector<1x1x192xi1>
    %broadcast_in_dim3A_70 = vector.broadcast %broadcast_in_dim3A_69 : vector<1x1x192xi1> to vector<80x16x192xi1>
    %select_n3A_71 = arith.select %broadcast_in_dim3A_70, %broadcast_in_dim3A_49, %select_n3A_65 : vector<80x16x192xi1>, vector<80x16x192xf32>
    %mul3A_72 = arith.mulf %get3A_2, %select_n3A_71 : vector<80x16x192xf32>
    %slice3A_73 = vector.extract_strided_slice %get3A_6 {offsets = [0, 0, 6], sizes = [80, 16, 1], strides = [1, 1, 1]} : vector<80x16x16xf32> to vector<80x16x1xf32>
    %squeeze3A_74 = vector.shape_cast %slice3A_73 : vector<80x16x1xf32> to vector<80x16xf32>
    %broadcast_in_dim3A_75 = vector.shape_cast %squeeze3A_74 : vector<80x16xf32> to vector<80x16x1xf32>
    %broadcast_in_dim3A_76 = vector.shape_cast %broadcast_in_dim3A_75 : vector<80x16x1xf32> to vector<80x16x1xf32>
    %broadcast_in_dim3A_77 = vector.broadcast %broadcast_in_dim3A_76 : vector<80x16x1xf32> to vector<80x16x192xf32>
    %slice3A_78 = vector.extract_strided_slice %get3A_6 {offsets = [0, 0, 7], sizes = [80, 16, 1], strides = [1, 1, 1]} : vector<80x16x16xf32> to vector<80x16x1xf32>
    %squeeze3A_79 = vector.shape_cast %slice3A_78 : vector<80x16x1xf32> to vector<80x16xf32>
    %broadcast_in_dim3A_80 = vector.shape_cast %squeeze3A_79 : vector<80x16xf32> to vector<80x16x1xf32>
    %broadcast_in_dim3A_81 = vector.shape_cast %broadcast_in_dim3A_80 : vector<80x16x1xf32> to vector<80x16x1xf32>
    %broadcast_in_dim3A_82 = vector.broadcast %broadcast_in_dim3A_81 : vector<80x16x1xf32> to vector<80x16x192xf32>
    %slice3A_83 = vector.extract_strided_slice %get3A_6 {offsets = [0, 0, 8], sizes = [80, 16, 1], strides = [1, 1, 1]} : vector<80x16x16xf32> to vector<80x16x1xf32>
    %squeeze3A_84 = vector.shape_cast %slice3A_83 : vector<80x16x1xf32> to vector<80x16xf32>
    %broadcast_in_dim3A_85 = vector.shape_cast %squeeze3A_84 : vector<80x16xf32> to vector<80x16x1xf32>
    %broadcast_in_dim3A_86 = vector.shape_cast %broadcast_in_dim3A_85 : vector<80x16x1xf32> to vector<80x16x1xf32>
    %broadcast_in_dim3A_87 = vector.broadcast %broadcast_in_dim3A_86 : vector<80x16x1xf32> to vector<80x16x192xf32>
    %eq3A_88 = arith.constant 1 : i32
    %eq3A_89 = vector.broadcast %eq3A_88 : i32 to vector<1x1x192xi32>
    %eq3A_90 = arith.cmpi eq, %select_n3A_20, %eq3A_89 : vector<1x1x192xi32>
    %broadcast_in_dim3A_91 = vector.shape_cast %eq3A_90 : vector<1x1x192xi1> to vector<1x1x192xi1>
    %broadcast_in_dim3A_92 = vector.broadcast %broadcast_in_dim3A_91 : vector<1x1x192xi1> to vector<80x16x192xi1>
    %select_n3A_93 = arith.select %broadcast_in_dim3A_92, %broadcast_in_dim3A_82, %broadcast_in_dim3A_87 : vector<80x16x192xi1>, vector<80x16x192xf32>
    %eq3A_94 = arith.constant 0 : i32
    %eq3A_95 = vector.broadcast %eq3A_94 : i32 to vector<1x1x192xi32>
    %eq3A_96 = arith.cmpi eq, %select_n3A_20, %eq3A_95 : vector<1x1x192xi32>
    %broadcast_in_dim3A_97 = vector.shape_cast %eq3A_96 : vector<1x1x192xi1> to vector<1x1x192xi1>
    %broadcast_in_dim3A_98 = vector.broadcast %broadcast_in_dim3A_97 : vector<1x1x192xi1> to vector<80x16x192xi1>
    %select_n3A_99 = arith.select %broadcast_in_dim3A_98, %broadcast_in_dim3A_77, %select_n3A_93 : vector<80x16x192xi1>, vector<80x16x192xf32>
    %mul3A_100 = arith.mulf %get3A_2, %select_n3A_99 : vector<80x16x192xf32>
    %slice3A_101 = vector.extract_strided_slice %get3A_6 {offsets = [0, 0, 9], sizes = [80, 16, 1], strides = [1, 1, 1]} : vector<80x16x16xf32> to vector<80x16x1xf32>
    %squeeze3A_102 = vector.shape_cast %slice3A_101 : vector<80x16x1xf32> to vector<80x16xf32>
    %broadcast_in_dim3A_103 = vector.shape_cast %squeeze3A_102 : vector<80x16xf32> to vector<80x16x1xf32>
    %broadcast_in_dim3A_104 = vector.shape_cast %broadcast_in_dim3A_103 : vector<80x16x1xf32> to vector<80x16x1xf32>
    %broadcast_in_dim3A_105 = vector.broadcast %broadcast_in_dim3A_104 : vector<80x16x1xf32> to vector<80x16x192xf32>
    %slice3A_106 = vector.extract_strided_slice %get3A_6 {offsets = [0, 0, 10], sizes = [80, 16, 1], strides = [1, 1, 1]} : vector<80x16x16xf32> to vector<80x16x1xf32>
    %squeeze3A_107 = vector.shape_cast %slice3A_106 : vector<80x16x1xf32> to vector<80x16xf32>
    %broadcast_in_dim3A_108 = vector.shape_cast %squeeze3A_107 : vector<80x16xf32> to vector<80x16x1xf32>
    %broadcast_in_dim3A_109 = vector.shape_cast %broadcast_in_dim3A_108 : vector<80x16x1xf32> to vector<80x16x1xf32>
    %broadcast_in_dim3A_110 = vector.broadcast %broadcast_in_dim3A_109 : vector<80x16x1xf32> to vector<80x16x192xf32>
    %slice3A_111 = vector.extract_strided_slice %get3A_6 {offsets = [0, 0, 11], sizes = [80, 16, 1], strides = [1, 1, 1]} : vector<80x16x16xf32> to vector<80x16x1xf32>
    %squeeze3A_112 = vector.shape_cast %slice3A_111 : vector<80x16x1xf32> to vector<80x16xf32>
    %broadcast_in_dim3A_113 = vector.shape_cast %squeeze3A_112 : vector<80x16xf32> to vector<80x16x1xf32>
    %broadcast_in_dim3A_114 = vector.shape_cast %broadcast_in_dim3A_113 : vector<80x16x1xf32> to vector<80x16x1xf32>
    %broadcast_in_dim3A_115 = vector.broadcast %broadcast_in_dim3A_114 : vector<80x16x1xf32> to vector<80x16x192xf32>
    %eq3A_116 = arith.constant 1 : i32
    %eq3A_117 = vector.broadcast %eq3A_116 : i32 to vector<1x1x192xi32>
    %eq3A_118 = arith.cmpi eq, %select_n3A_20, %eq3A_117 : vector<1x1x192xi32>
    %broadcast_in_dim3A_119 = vector.shape_cast %eq3A_118 : vector<1x1x192xi1> to vector<1x1x192xi1>
    %broadcast_in_dim3A_120 = vector.broadcast %broadcast_in_dim3A_119 : vector<1x1x192xi1> to vector<80x16x192xi1>
    %select_n3A_121 = arith.select %broadcast_in_dim3A_120, %broadcast_in_dim3A_110, %broadcast_in_dim3A_115 : vector<80x16x192xi1>, vector<80x16x192xf32>
    %eq3A_122 = arith.constant 0 : i32
    %eq3A_123 = vector.broadcast %eq3A_122 : i32 to vector<1x1x192xi32>
    %eq3A_124 = arith.cmpi eq, %select_n3A_20, %eq3A_123 : vector<1x1x192xi32>
    %broadcast_in_dim3A_125 = vector.shape_cast %eq3A_124 : vector<1x1x192xi1> to vector<1x1x192xi1>
    %broadcast_in_dim3A_126 = vector.broadcast %broadcast_in_dim3A_125 : vector<1x1x192xi1> to vector<80x16x192xi1>
    %select_n3A_127 = arith.select %broadcast_in_dim3A_126, %broadcast_in_dim3A_105, %select_n3A_121 : vector<80x16x192xi1>, vector<80x16x192xf32>
    %mul3A_128 = arith.mulf %get3A_2, %select_n3A_127 : vector<80x16x192xf32>
    %broadcast_in_dim3A_129 = vector.shape_cast %mul3A : vector<80x16x192xf32> to vector<1x80x16x192xf32>
    %broadcast_in_dim3A_130 = vector.shape_cast %mul3A_72 : vector<80x16x192xf32> to vector<1x80x16x192xf32>
    %broadcast_in_dim3A_131 = vector.shape_cast %mul3A_100 : vector<80x16x192xf32> to vector<1x80x16x192xf32>
    %broadcast_in_dim3A_132 = vector.shape_cast %mul3A_128 : vector<80x16x192xf32> to vector<1x80x16x192xf32>
    %concatenate3A = tpu.concatenate %broadcast_in_dim3A_129, %broadcast_in_dim3A_130, %broadcast_in_dim3A_131, %broadcast_in_dim3A_132 in 0 : vector<1x80x16x192xf32>, vector<1x80x16x192xf32>, vector<1x80x16x192xf32>, vector<1x80x16x192xf32> -> vector<4x80x16x192xf32>
    %reshape3A = vector.shape_cast %concatenate3A : vector<4x80x16x192xf32> to vector<5120x192xf32>
    %iota3A_133 = tpu.iota {dimensions = array<i32: 0>} : vector<192x64xi32>
    %iota3A_134 = tpu.iota {dimensions = array<i32: 1>} : vector<192x64xi32>
    %jit3A_135 = arith.constant 3 : i32
    %div3A = vector.broadcast %jit3A_135 : i32 to vector<192x64xi32>
    %div3A_136 = arith.divsi %iota3A_133, %div3A : vector<192x64xi32>
    %sign3A = arith.constant 0 : i32
    %sign3A_137 = vector.broadcast %sign3A : i32 to vector<192x64xi32>
    %sign3A_138 = arith.cmpi sgt, %iota3A_133, %sign3A_137 : vector<192x64xi32>
    %sign3A_139 = arith.extui %sign3A_138 : vector<192x64xi1> to vector<192x64xi32>
    %sign3A_140 = arith.constant 0 : i32
    %sign3A_141 = vector.broadcast %sign3A_140 : i32 to vector<192x64xi32>
    %sign3A_142 = arith.cmpi slt, %iota3A_133, %sign3A_141 : vector<192x64xi32>
    %sign3A_143 = arith.extui %sign3A_142 : vector<192x64xi1> to vector<192x64xi32>
    %sign3A_144 = arith.subi %sign3A_139, %sign3A_143 : vector<192x64xi32>
    %sign3A_145 = arith.constant 0 : i32
    %sign3A_146 = arith.cmpi sgt, %jit3A_135, %sign3A_145 : i32
    %sign3A_147 = arith.extui %sign3A_146 : i1 to i32
    %sign3A_148 = arith.constant 0 : i32
    %sign3A_149 = arith.cmpi slt, %jit3A_135, %sign3A_148 : i32
    %sign3A_150 = arith.extui %sign3A_149 : i1 to i32
    %sign3A_151 = arith.subi %sign3A_147, %sign3A_150 : i32
    %ne3A_152 = vector.broadcast %sign3A_151 : i32 to vector<192x64xi32>
    %ne3A_153 = arith.cmpi ne, %sign3A_144, %ne3A_152 : vector<192x64xi32>
    %rem3A_154 = vector.broadcast %jit3A_135 : i32 to vector<192x64xi32>
    %rem3A_155 = arith.remsi %iota3A_133, %rem3A_154 : vector<192x64xi32>
    %ne3A_156 = arith.constant 0 : i32
    %ne3A_157 = vector.broadcast %ne3A_156 : i32 to vector<192x64xi32>
    %ne3A_158 = arith.cmpi ne, %rem3A_155, %ne3A_157 : vector<192x64xi32>
    %and3A_159 = arith.andi %ne3A_153, %ne3A_158 : vector<192x64xi1>
    %sub3A = arith.constant 1 : i32
    %sub3A_160 = vector.broadcast %sub3A : i32 to vector<192x64xi32>
    %sub3A_161 = arith.subi %div3A_136, %sub3A_160 : vector<192x64xi32>
    %select_n3A_162 = arith.select %and3A_159, %sub3A_161, %div3A_136 : vector<192x64xi1>, vector<192x64xi32>
    %eq3A_163 = arith.cmpi eq, %select_n3A_162, %iota3A_134 : vector<192x64xi32>
    %convert_element_type3A = arith.extui %eq3A_163 : vector<192x64xi1> to vector<192x64xi32>
    %convert_element_type3A_164 = arith.sitofp %convert_element_type3A : vector<192x64xi32> to vector<192x64xf32>
    %dot_general3A = arith.constant dense<0.000000e+00> : vector<5120x64xf32>
    %dot_general3A_165 = tpu.matmul %reshape3A, %convert_element_type3A_164, %dot_general3A {dimension_numbers = #tpu.dot_dimension_numbers<[1], [0], [0], [1], [0, 0, 1, 1], [], []>, transpose_lhs_hint = false} : vector<5120x192xf32>, vector<192x64xf32>, vector<5120x64xf32> -> vector<5120x64xf32>
    %reshape3A_166 = vector.shape_cast %dot_general3A_165 : vector<5120x64xf32> to vector<4x80x16x64xf32>
    %reduce_sum3A = arith.constant dense<0.000000e+00> : vector<4x80x64xf32>
    %reduce_sum3A_167 = vector.multi_reduction <add>, %reshape3A_166, %reduce_sum3A [2] : vector<4x80x16x64xf32> to vector<4x80x64xf32>
    %get3A_168 = arith.constant 0 : index
    %get3A_169 = arith.constant 0 : index
    %get3A_170 = vector.load %arg3[%get3A_168, %get3A_169] : memref<1x64xf32, #tpu.memory_space<vmem>>, vector<1x64xf32>
    %broadcast_in_dim3A_171 = vector.shape_cast %get3A_170 : vector<1x64xf32> to vector<1x1x64xf32>
    %add3A_172 = vector.broadcast %broadcast_in_dim3A_171 : vector<1x1x64xf32> to vector<4x80x64xf32>
    %add3A_173 = arith.addf %reduce_sum3A_167, %add3A_172 : vector<4x80x64xf32>
    %gt3A = arith.constant 0.000000e+00 : f32
    %gt3A_174 = vector.broadcast %gt3A : f32 to vector<4x80x64xf32>
    %gt3A_175 = arith.cmpf ogt, %add3A_173, %gt3A_174 : vector<4x80x64xf32>
    %min3A = arith.constant 0.000000e+00 : f32
    %min3A_176 = vector.broadcast %min3A : f32 to vector<4x80x64xf32>
    %min3A_177 = arith.minimumf %add3A_173, %min3A_176 : vector<4x80x64xf32>
    %exp3A = math.exp %min3A_177 : vector<4x80x64xf32>
    %sub3A_178 = arith.constant 1.000000e+00 : f32
    %sub3A_179 = vector.broadcast %sub3A_178 : f32 to vector<4x80x64xf32>
    %sub3A_180 = arith.subf %exp3A, %sub3A_179 : vector<4x80x64xf32>
    %select_n3A_181 = arith.select %gt3A_175, %add3A_173, %sub3A_180 : vector<4x80x64xi1>, vector<4x80x64xf32>
    %swap3A = arith.constant 0 : index
    %swap3A_182 = arith.constant 0 : index
    %swap3A_183 = arith.constant 0 : index
    %swap3A_184 = vector.load %arg4[%swap3A, %swap3A_182, %swap3A_183] : memref<4x80x64xf32, #tpu.memory_space<vmem>>, vector<4x80x64xf32>
    tpu.vector_store %arg4[%swap3A, %swap3A_182, %swap3A_183], %select_n3A_181 {strides = array<i32>} : memref<4x80x64xf32, #tpu.memory_space<vmem>>, vector<4x80x64xf32>,
    return
  }
  func.func @transform_0(%arg0: i32) -> (i32, i32, i32) {
    %c0_i32 = arith.constant 0 : i32
    %c0_i32_0 = arith.constant 0 : i32
    %c0_i32_1 = arith.constant 0 : i32
    return %arg0, %c0_i32, %c0_i32_0 : i32, i32, i32
  }
  func.func @transform_1(%arg0: i32) -> (i32, i32, i32) {
    %c0_i32 = arith.constant 0 : i32
    %c0_i32_0 = arith.constant 0 : i32
    %c0_i32_1 = arith.constant 0 : i32
    return %arg0, %c0_i32, %c0_i32_0 : i32, i32, i32
  }
  func.func @transform_2(%arg0: i32) -> (i32, i32) {
    %c0_i32 = arith.constant 0 : i32
    %c0_i32_0 = arith.constant 0 : i32
    %c0_i32_1 = arith.constant 0 : i32
    return %c0_i32, %c0_i32_0 : i32, i32
  }
  func.func @transform_3(%arg0: i32) -> (i32, i32, i32) {
    %c0_i32 = arith.constant 0 : i32
    %c0_i32_0 = arith.constant 0 : i32
    %c0_i32_1 = arith.constant 0 : i32
    return %c0_i32, %arg0, %c0_i32_0 : i32, i32, i32
  }
}

</mosaic_0001>

<sc_bundles>
// kernel: kernel.4.cloned.1.call-start
scs
__scs_entry_jumppad:
0x0: {  	(pc) =	sbr.rel $0x88, $3  }
0x1: {  	(tag) =	ssettag $0x0;
	lr =	simm.s32 $0x1  }
0x2: {  	[smem:$0x3F9D] =	sst lr;
	_ =	strace $0xD0000000  }
0x3: {  	_ = 	snop  }
0x4: {  	_ = 	snop  }
0x5: {  	_ = 	snop  }
0x6: {  	_ = 	snop  }
0x7: {  	_ = 	snop  }
__scs_overlays_trampoline_lowered:
0x8: {  	[smem:$0x3FAC] =	sst s0  }
0x9: {  	[smem:$0x3FAD] =	sst s1  }
0xa: {  	[smem:$0x3FAE] =	sst s2  }
0xb: {  	[smem:$0x3FAF] =	sst s3  }
0xc: {  	[smem:$0x3FB0] =	sst s4  }
0xd: {  	[smem:$0x3FB1] =	sst s5  }
0xe: {  	[smem:$0x3FB2] =	sst s6  }
0xf: {  	[smem:$0x3FB3] =	sst s7  }
0x10: {  	[smem:$0x3FB4] =	sst s8  }
0x11: {  	[smem:$0x3FB5] =	sst s9;
	s0 =	simm.s32 @!p0 $0x0  }
0x12: {  	s1 =	sld [smem:$0x3F9B];
	s0 =	simm.s32 @p0 $0x1  }
0x13: {  	[smem:$0x3FB6] =	sst s0;
	s0 =	simm.s32 @!p1 $0x0  }
0x14: {  	s2 =	sld [smem:$0x3F9A];
	s0 =	simm.s32 @p1 $0x1  }
0x15: {  	[smem:$0x3FB7] =	sst s0;
	s0 =	simm.s32 @!p2 $0x0  }
0x16: {  	s3 =	sld [smem:$0x3FDB];
	s0 =	simm.s32 @p2 $0x1  }
0x17: {  	s4 =	simm.s32 $0x1BF5;
	[smem:$0x3FB9] =	sst s0  }
0x18: {  	s0 =	sld [smem:$0x3F9C];
	_ =	swait.ge [sflag:s4], $0x0  }
0x19: {  	s7 =	sld [smem:$0x3F9D]  }
0x1a: {  	s8 =	sadd.s32 $0xFFFFE003, lr  }
0x1b: {  	s9 =	sadd.s32 $0xFFFFFEF7, lr;
	s5 =	simm.s32 $0xFFFFFFFF;
	p2 =	slt.u32 s8, $0xFFFFF086  }
0x1c: {  	p1 =	slt.u32 s9, $0xF7A;
	s5 =	simm.s32 @!p2 $0x0  }
0x1d: {  	s5 =	simm.s32 @p1 $0x1;
	p0 =	seq.s32 s7, s2  }
0x1e: {  	s7 =	smul.u32 @!p0 $0xF7A, s2;
	p2 =	seq.s32 @!p0 s5, $0x0  }
0x1f: {  	s9 =	smul.u32 $0xF7A, s1;
	s8 =	simm.s32 @!p0 $0x1BF5;
	p2 =	por !p2, p0  }
0x20: {  	[sflag:s8] =	ssyncset.s32 @!p0 $0xFFFFF086;
	s6 =	sadd.s32 @!p0 s3, s7;
	s7 =	simm.s32 @!p0 $0x108  }
0x21: {  	s3 =	sadd.s32 s3, s9;
	s6 =	sadd.s32 @!p0 $0x88, s6;
	s7 =	simm.s32 @p2 $0x1082  }
0x22: {  	[simem:s7], [sflag:s8] =	dma.local @!p0 [hbm:s6], $0xF7A  }
0x23: {  	s9 =	sor.u32 $0xD0000000, s2;
	s6 =	simm.s32 $0x108;
	_ =	swait.ge @!p0 [sflag:s8], $0x0  }
0x24: {  	s3 =	sadd.s32 $0x88, s3;
	s6 =	simm.s32 @!p1 $0x1082;
	[sflag:s4] =	ssyncset.s32 $0xFFFFF086  }
0x25: {  	[simem:s6], [sflag:s4] =	dma.local [hbm:s3], $0xF7A  }
0x26: {  	[smem:$0x3F9D] =	sst s1;
	(tag) =	ssettag s2;
	_ =	strace s9  }
0x27: {  	s1 =	sld [smem:$0x3FAD]  }
0x28: {  	s2 =	sld [smem:$0x3FAE]  }
0x29: {  	s4 =	sld [smem:$0x3FB0]  }
0x2a: {  	p0 =	seq.s32 s5, $0x0;
	s5 =	sld [smem:$0x3FB1]  }
0x2b: {  	s6 =	sld [smem:$0x3FB2]  }
0x2c: {  	s7 =	sld [smem:$0x3FB3]  }
0x2d: {  	s3 =	simm.s32 $0x108;
	s8 =	sld [smem:$0x3FB4]  }
0x2e: {  	s3 =	simm.s32 @!p0 $0x1082;
	s9 =	sld [smem:$0x3FB5]  }
0x2f: {  	lr =	sadd.s32 s0, s3;
	s0 =	sld [smem:$0x3FAC]  }
0x30: {  	s3 =	sld [smem:$0x3FAF]  }
0x31: {  	[smem:$0x3FB8] =	sst s10  }
0x32: {  	s10 =	sld [smem:$0x3FB6];
	_ =	sdelay $0x3  }
0x33: {  	p0 =	seq.s32 s10, $0x1;
	s10 =	sld [smem:$0x3FB8];
	_ =	sdelay $0x3  }
0x34: {  	[smem:$0x3FB8] =	sst s10  }
0x35: {  	s10 =	sld [smem:$0x3FB7];
	_ =	sdelay $0x3  }
0x36: {  	p1 =	seq.s32 s10, $0x1;
	s10 =	sld [smem:$0x3FB8];
	_ =	sdelay $0x3  }
0x37: {  	[smem:$0x3FB8] =	sst s10  }
0x38: {  	s10 =	sld [smem:$0x3FB9]  }
0x39: {  	_ = 	snop;
	(pc) =	sbr.ind lr, $3  }
0x3a: {  	_ = 	snop  }
0x3b: {  	_ = 	snop  }
0x3c: {  	p2 =	seq.s32 s10, $0x1;
	s10 =	sld [smem:$0x3FB8]  }
0x3d: {  	_ =	shalt  }
0x3e: {  	_ =	shalt  }
0x3f: {  	_ =	shalt  }
0x40: {  	_ =	shalt  }
0x41: {  	_ =	shalt  }
0x42: {  	_ =	shalt  }
0x43: {  	_ =	shalt  }
0x44: {  	_ =	shalt  }
0x45: {  	_ =	shalt  }
0x46: {  	_ =	shalt  }
0x47: {  	_ =	shalt  }
0x48: {  	_ =	shalt  }
0x49: {  	_ =	shalt  }
0x4a: {  	_ =	shalt  }
0x4b: {  	_ =	shalt  }
0x4c: {  	_ =	shalt  }
0x4d: {  	_ =	shalt  }
0x4e: {  	_ =	shalt  }
0x4f: {  	_ =	shalt  }
0x50: {  	_ =	shalt  }
0x51: {  	_ =	shalt  }
0x52: {  	_ =	shalt  }
0x53: {  	_ =	shalt  }
0x54: {  	_ =	shalt  }
0x55: {  	_ =	shalt  }
0x56: {  	_ =	shalt  }
0x57: {  	_ =	shalt  }
0x58: {  	_ =	shalt  }
0x59: {  	_ =	shalt  }
0x5a: {  	_ =	shalt  }
0x5b: {  	_ =	shalt  }
0x5c: {  	_ =	shalt  }
0x5d: {  	_ =	shalt  }
0x5e: {  	_ =	shalt  }
0x5f: {  	_ =	shalt  }
0x60: {  	_ =	shalt  }
0x61: {  	_ =	shalt  }
0x62: {  	_ =	shalt  }
0x63: {  	_ =	shalt  }
0x64: {  	_ =	shalt  }
0x65: {  	_ =	shalt  }
0x66: {  	_ =	shalt  }
0x67: {  	_ =	shalt  }
0x68: {  	_ =	shalt  }
0x69: {  	_ =	shalt  }
0x6a: {  	_ =	shalt  }
0x6b: {  	_ =	shalt  }
0x6c: {  	_ =	shalt  }
0x6d: {  	_ =	shalt  }
0x6e: {  	_ =	shalt  }
0x6f: {  	_ =	shalt  }
0x70: {  	_ =	shalt  }
0x71: {  	_ =	shalt  }
0x72: {  	_ =	shalt  }
0x73: {  	_ =	shalt  }
0x74: {  	_ =	shalt  }
0x75: {  	_ =	shalt  }
0x76: {  	_ =	shalt  }
0x77: {  	_ =	shalt  }
0x78: {  	_ =	shalt  }
0x79: {  	_ =	shalt  }
0x7a: {  	_ =	shalt  }
0x7b: {  	_ =	shalt  }
0x7c: {  	_ =	shalt  }
0x7d: {  	_ =	shalt  }
0x7e: {  	_ =	shalt  }
0x7f: {  	_ =	shalt  }
0x80: {  	_ =	shalt  }
0x81: {  	_ =	shalt  }
0x82: {  	_ =	shalt  }
0x83: {  	_ =	shalt  }
0x84: {  	_ =	shalt  }
0x85: {  	_ =	shalt  }
0x86: {  	_ =	shalt  }
0x87: {  	_ =	shalt  }
.Lfunc_end0:
.L_simem_size_0:
called_computation_lowered:
.L_overlay_start_0:
0x88: {  	s2 =	sld [smem:$0x3FD9]  }
0x89: {  	s3 =	sld [smem:$0x3FFE];
	_ =	sdelay $0x1  }
0x8a: {  	s1 =	srdreg.scid  }
0x8b: {  	s0 =	sand.u32 $0x1, s1  }
0x8c: {  	s17 =	sshll.u32 s0, $0xA;
	s2 =	sadd.s32 s3, s2  }
0x8d: {  	s2 =	sadd.s32 s2, s17  }
0x8e: {  	[smem:$0x3FC4] =	sst s2  }
0x8f: {  	_ = 	snop  }
0x90: {  	s2 =	sld [smem:$0x3FD0];
	(tm) =	ssettm $0x1  }
0x91: {  	s18 =	sld [smem:$0x3FFB];
	_ =	sdelay $0x3  }
0x92: {  	_ =	strace s18  }
0x93: {  	s3 =	sld [smem:$0x3FFC];
	_ =	sdelay $0x3  }
0x94: {  	_ =	strace s3  }
0x95: {  	s3 =	sld [smem:$0x3FFD];
	_ =	sdelay $0x3  }
0x96: {  	_ =	strace s3  }
0x97: {  	_ =	strace $0x8FFFFFFF  }
0x98: {  	s19 =	sld [smem:$0x3FDB];
	_ =	sdelay $0x1  }
0x99: {  	s4 =	simm.s32 $_scs_section_size  }
0x9a: {  	s5 =	simm.s32 $_size__tile_overlayer_lowered;
	s6 =	simm.s32 $_tile_overlayer_lowered  }
0x9b: {  	s22 =	simm.s32 $0x1BFF;
	s21 =	sshll.u32 s6, $0x1;
	s3 =	sadd.s32 s4, s19  }
0x9c: {  	s7 =	simm.s32 $0x0;
	s20 =	sshll.u32 s5, $0x1;
	s5 =	sadd.s32 s21, s3  }
0x9d: {  	[timem:s7], [sflag:s22] =	dma.local [hbm:s5], s20  }
0x9e: {  	_ =	swait.ge [sflag:s22], s20  }
0x9f: {  	s4 =	ssub.s32 $0x0, s20;
	[sflag:s22] =	ssyncset.done $0x0  }
0xa0: {  	[sflag:s22] =	ssyncadd.s32 s4;
	_ =	sdelay $0x1  }
0xa1: {  	s23 =	simm.s32 $0x1B8B  }
0xa2: {  	_ =	swait.ge [sflag:s23], $0x1  }
0xa3: {  	[sflag:s23] =	ssyncset.done $0x0  }
0xa4: {  	s25 =	simm.s32 $0x1B8E;
	s24 =	sld [smem:$0x3FFE];
	[sflag:s23] =	ssyncadd.s32 $0xFFFFFFFF  }
0xa5: {  	s26 =	simm.s32 $execute0_lowered;
	[smem:$0x3FD2] =	sst s25  }
0xa6: {  	s5 =	sshll.u32 s26, $0x1;
	_ =	strace $0x80000046;
	[dreg:$0x1] =	wrdreg $0xFFFFFFFF  }
0xa7: {  	s28 =	simm.s32 $_size_execute0_lowered;
	s3 =	sadd.s32 s3, s5;
	[dreg:$0x0] =	wrdreg $0x0  }
0xa8: {  	s5 =	sshll.u32 s28, $0x1;
	[dreg:$0x2] =	wrdreg s3  }
0xa9: {  	[dreg:$0x3] =	wrdreg s5  }
0xaa: {  	[dreg:$0x4] =	wrdreg $0xC0  }
0xab: {  	_ =	task [dreg:s7], $0x5FFFF  }
0xac: {  	[dreg:$0x1] =	wrdreg $0xFFFFFFFF  }
0xad: {  	[dreg:$0x0] =	wrdreg $0x60  }
0xae: {  	[dreg:$0x2] =	wrdreg s24  }
0xaf: {  	[dreg:$0x3] =	wrdreg s2  }
0xb0: {  	[dreg:$0x4] =	wrdreg $0x9  }
0xb1: {  	_ =	task.clear_ibuf [dreg:s7], $0x5FFFF;
	_ =	strace $0x90000046  }
0xb2: {  	s29 =	simm.s32 $0x9;
	_ =	strace $0x80000048  }
0xb3: {  	_ =	swait.ge [sflag:s29], $0x1  }
0xb4: {  	[sflag:s29] =	ssyncadd.s32 $0xFFFFFFFF  }
0xb5: {  	_ =	strace $0x90000048  }
0xb6: {  	_ =	sfence  }
0xb7: {  	s30 =	sld [smem:$0x0];
	_ =	sdelay $0x2  }
0xb8: {  	s31 =	sshll.u32 s1, $0xD;
	s1 =	sshrl.u32 s1, $0x2  }
0xb9: {  	s3 =	sand.u32 $0x4000, s31;
	s1 =	sadd.s32 s1, s30  }
0xba: {  	s0 =	sor.u32 s3, s0;
	s1 =	sshll.u32 s1, $0x11  }
0xbb: {  	s0 =	sor.u32 s1, s0  }
0xbc: {  	s0 =	sadd.s32 $0x8F2B, s0  }
0xbd: {  	[sflag:s0] =	ssyncadd.remote.s32 $0x1  }
0xbe: {  	_ =	sfence.sel $0xFFFF  }
0xbf: {  	[dreg:$0x0] =	wrdreg $0xFFFFFFFF;
	(pc) =	sbr.abs _section_cstart, $3  }
0xc0: {  	[dreg:$0x1] =	wrdreg $0xFFFFFFFF  }
0xc1: {  	_ =	task.clear_ibuf [dreg:s7], $0x2FFFF;
	_ =	strace $0x9FFFFFFF  }
0xc2: {  	(tm) =	ssettm $0x7FFFFFFF  }
0xc3: {  	_ =	shalt  }
tec
execute0_lowered:
.L_overlay_start_1:
0x0: {  	(tag) =	ssettag $0x1  }
0x1: {  	s0 =	rddreg [dreg:$0x0]  }
0x2: {  	s1 =	rddreg [dreg:$0x1]  }
0x3: {  	s3 =	srdreg.scid;
	s4 =	stileid.u32  }
0x4: {  	s2 =	simm.s32 $0x0;
	s11 =	simm.s32 $0x2;
	s12 =	simm.s32 $0x80  }
0x5: {  	s28 =	simm.s32 $0x1;
	s20 =	simm.s32 $0x1080;
	s21 =	simm.s32 $0x11C00  }
0x6: {  	s22 =	simm.s32 $0x1100;
	s23 =	simm.s32 $0x12400;
	s29 =	simm.s32 $0x13400  }
0x7: {  	s30 =	simm.s32 $0x1280;
	s31 =	simm.s32 $0x13C00;
	s13 =	simm.s32 $0x1380  }
0x8: {  	s14 =	simm.s32 $0x14C00;
	s3 =	sand.u32 $0x1, s3;
	s4 =	sshll.u32 s4, $0x1  }
0x9: {  	s15 =	simm.s32 $0x15400;
	s16 =	simm.s32 $0x0;
	s4 =	sor.u32 s3, s4  }
0xa: {  	[smem:$0x7FF] =	sst s2;
	s6 =	sadd.s32 $0x5800, s0;
	s5 =	smul.u32 $0x14000, s4  }
0xb: {  	_ =	strace $0x80000047;
	s7 =	ssub.s32 $0x2, s3;
	s8 =	smul.u32 $0x280, s4  }
0xc: {  	s3 =	sadd.s32 $0x800, s0;
	s9 =	sshrl.u32 s7, $0x1;
	s10 =	smul.u32 $0x2800, s4  }
0xd: {  	s0 =	simm.s32 $0x1300;
	s25 =	ssub.s32 s7, s9;
	s24 =	sshrl.u32 s5, $0x3  }
0xe: {  	s4 =	sadd.s32 s1, s8;
	s5 =	sadd.s32 s6, s10;
	s10 =	smax.u32 s25, $0x1  }
0xf: {  	s25 =	simm.s32 $0x12C00;
	s1 =	simm.s32 $0x14400;
	s26 =	sadd.s32 s6, s24  }
0x10: {  	s24 =	simm.s32 $0x1180;
	s6 =	sadd.s32 $0x800, s26;
	s7 =	sadd.s32 $0x1000, s26  }
0x11: {  	s8 =	sadd.s32 $0x1800, s26;
	s9 =	sadd.s32 $0x2000, s26;
	s26 =	simm.s32 $0x1200  }
.LBB2_1:
0x12: {  	[tilespmem:s2], [sflag:$0x2] =	stream.linear.gather [hbm4b:s4+s2], $0x1400, $0x38;
	[tilespmem:$0x19400] =	vst v63  }
0x13: {  	_ =	swait.ge [sflag:s11], $0x1400  }
0x14: {  	[sflag:s11] =	ssyncset.done $0x0  }
0x15: {  	s17 =	simm.s32 $0x1400;
	[sflag:s11] =	ssyncadd.s32 $0xFFFFEC00  }
0x16: {  	[tilespmem:s17], [sflag:$0x1] =	stream.indirect.gather [hbm4b:s3+s12], $0x10, s2, s12, $0xb8;
	[tilespmem:$0x19400] =	vst v63  }
0x17: {  	s18 =	simm.s32 $0x1C00  }
0x18: {  	[tilespmem:s18], [sflag:$0x1] =	stream.indirect.gather [hbm4b:s3+s12], $0x10, s12, s12, $0xb8;
	[tilespmem:$0x19400] =	vst v63  }
0x19: {  	s19 =	simm.s32 $0x100;
	s18 =	simm.s32 $0x2400  }
0x1a: {  	[tilespmem:s18], [sflag:$0x1] =	stream.indirect.gather [hbm4b:s3+s12], $0x10, s19, s12, $0xb8;
	[tilespmem:$0x19400] =	vst v63  }
0x1b: {  	s18 =	simm.s32 $0x180;
	s19 =	simm.s32 $0x2C00  }
0x1c: {  	[tilespmem:s19], [sflag:$0x1] =	stream.indirect.gather [hbm4b:s3+s12], $0x10, s18, s12, $0xb8;
	[tilespmem:$0x19400] =	vst v63  }
0x1d: {  	s18 =	simm.s32 $0x200;
	s19 =	simm.s32 $0x3400  }
0x1e: {  	[tilespmem:s19], [sflag:$0x1] =	stream.indirect.gather [hbm4b:s3+s12], $0x10, s18, s12, $0xb8;
	[tilespmem:$0x19400] =	vst v63  }
0x1f: {  	s18 =	simm.s32 $0x280;
	s19 =	simm.s32 $0x3C00  }
0x20: {  	[tilespmem:s19], [sflag:$0x1] =	stream.indirect.gather [hbm4b:s3+s12], $0x10, s18, s12, $0xb8;
	[tilespmem:$0x19400] =	vst v63  }
0x21: {  	s18 =	simm.s32 $0x300;
	s19 =	simm.s32 $0x4400  }
0x22: {  	[tilespmem:s19], [sflag:$0x1] =	stream.indirect.gather [hbm4b:s3+s12], $0x10, s18, s12, $0xb8;
	[tilespmem:$0x19400] =	vst v63  }
0x23: {  	s18 =	simm.s32 $0x380;
	s19 =	simm.s32 $0x4C00  }
0x24: {  	[tilespmem:s19], [sflag:$0x1] =	stream.indirect.gather [hbm4b:s3+s12], $0x10, s18, s12, $0xb8;
	[tilespmem:$0x19400] =	vst v63  }
0x25: {  	_ =	swait.ge [sflag:s28], $0x800  }
0x26: {  	[sflag:s28] =	ssyncset.done $0x0  }
0x27: {  	[sflag:s28] =	ssyncadd.s32 $0xFFFFF800  }
0x28: {  	_ =	swait.ge [sflag:s28], $0x800  }
0x29: {  	[sflag:s28] =	ssyncset.done $0x0  }
0x2a: {  	[sflag:s28] =	ssyncadd.s32 $0xFFFFF800  }
0x2b: {  	_ =	swait.ge [sflag:s28], $0x800  }
0x2c: {  	[sflag:s28] =	ssyncset.done $0x0  }
0x2d: {  	[sflag:s28] =	ssyncadd.s32 $0xFFFFF800  }
0x2e: {  	_ =	swait.ge [sflag:s28], $0x800  }
0x2f: {  	[sflag:s28] =	ssyncset.done $0x0  }
0x30: {  	[sflag:s28] =	ssyncadd.s32 $0xFFFFF800  }
0x31: {  	_ =	swait.ge [sflag:s28], $0x800  }
0x32: {  	[sflag:s28] =	ssyncset.done $0x0  }
0x33: {  	[sflag:s28] =	ssyncadd.s32 $0xFFFFF800  }
0x34: {  	_ =	swait.ge [sflag:s28], $0x800  }
0x35: {  	[sflag:s28] =	ssyncset.done $0x0  }
0x36: {  	[sflag:s28] =	ssyncadd.s32 $0xFFFFF800  }
0x37: {  	_ =	swait.ge [sflag:s28], $0x800  }
0x38: {  	[sflag:s28] =	ssyncset.done $0x0  }
0x39: {  	[sflag:s28] =	ssyncadd.s32 $0xFFFFF800  }
0x3a: {  	_ =	swait.ge [sflag:s28], $0x800  }
0x3b: {  	[sflag:s28] =	ssyncset.done $0x0  }
0x3c: {  	s18 =	simm.s32 $0x400;
	s19 =	simm.s32 $0x5400;
	[sflag:s28] =	ssyncadd.s32 $0xFFFFF800  }
0x3d: {  	[tilespmem:s19], [sflag:$0x1] =	stream.indirect.gather [hbm4b:s3+s12], $0x10, s18, s12, $0xb8;
	[tilespmem:$0x19400] =	vst v63  }
0x3e: {  	s18 =	simm.s32 $0x480;
	s19 =	simm.s32 $0x5C00  }
0x3f: {  	[tilespmem:s19], [sflag:$0x1] =	stream.indirect.gather [hbm4b:s3+s12], $0x10, s18, s12, $0xb8;
	[tilespmem:$0x19400] =	vst v63  }
0x40: {  	s18 =	simm.s32 $0x500;
	s19 =	simm.s32 $0x6400  }
0x41: {  	[tilespmem:s19], [sflag:$0x1] =	stream.indirect.gather [hbm4b:s3+s12], $0x10, s18, s12, $0xb8;
	[tilespmem:$0x19400] =	vst v63  }
0x42: {  	s18 =	simm.s32 $0x580;
	s19 =	simm.s32 $0x6C00  }
0x43: {  	[tilespmem:s19], [sflag:$0x1] =	stream.indirect.gather [hbm4b:s3+s12], $0x10, s18, s12, $0xb8;
	[tilespmem:$0x19400] =	vst v63  }
0x44: {  	s18 =	simm.s32 $0x600;
	s19 =	simm.s32 $0x7400  }
0x45: {  	[tilespmem:s19], [sflag:$0x1] =	stream.indirect.gather [hbm4b:s3+s12], $0x10, s18, s12, $0xb8;
	[tilespmem:$0x19400] =	vst v63  }
0x46: {  	s18 =	simm.s32 $0x680;
	s19 =	simm.s32 $0x7C00  }
0x47: {  	[tilespmem:s19], [sflag:$0x1] =	stream.indirect.gather [hbm4b:s3+s12], $0x10, s18, s12, $0xb8;
	[tilespmem:$0x19400] =	vst v63  }
0x48: {  	s18 =	simm.s32 $0x700;
	s19 =	simm.s32 $0x8400  }
0x49: {  	[tilespmem:s19], [sflag:$0x1] =	stream.indirect.gather [hbm4b:s3+s12], $0x10, s18, s12, $0xb8;
	[tilespmem:$0x19400] =	vst v63  }
0x4a: {  	s18 =	simm.s32 $0x780;
	s19 =	simm.s32 $0x8C00  }
0x4b: {  	[tilespmem:s19], [sflag:$0x1] =	stream.indirect.gather [hbm4b:s3+s12], $0x10, s18, s12, $0xb8;
	[tilespmem:$0x19400] =	vst v63  }
0x4c: {  	_ =	swait.ge [sflag:s28], $0x800  }
0x4d: {  	[sflag:s28] =	ssyncset.done $0x0  }
0x4e: {  	[sflag:s28] =	ssyncadd.s32 $0xFFFFF800  }
0x4f: {  	_ =	swait.ge [sflag:s28], $0x800  }
0x50: {  	[sflag:s28] =	ssyncset.done $0x0  }
0x51: {  	[sflag:s28] =	ssyncadd.s32 $0xFFFFF800  }
0x52: {  	_ =	swait.ge [sflag:s28], $0x800  }
0x53: {  	[sflag:s28] =	ssyncset.done $0x0  }
0x54: {  	[sflag:s28] =	ssyncadd.s32 $0xFFFFF800  }
0x55: {  	_ =	swait.ge [sflag:s28], $0x800  }
0x56: {  	[sflag:s28] =	ssyncset.done $0x0  }
0x57: {  	[sflag:s28] =	ssyncadd.s32 $0xFFFFF800  }
0x58: {  	_ =	swait.ge [sflag:s28], $0x800  }
0x59: {  	[sflag:s28] =	ssyncset.done $0x0  }
0x5a: {  	[sflag:s28] =	ssyncadd.s32 $0xFFFFF800  }
0x5b: {  	_ =	swait.ge [sflag:s28], $0x800  }
0x5c: {  	[sflag:s28] =	ssyncset.done $0x0  }
0x5d: {  	[sflag:s28] =	ssyncadd.s32 $0xFFFFF800  }
0x5e: {  	_ =	swait.ge [sflag:s28], $0x800  }
0x5f: {  	[sflag:s28] =	ssyncset.done $0x0  }
0x60: {  	[sflag:s28] =	ssyncadd.s32 $0xFFFFF800  }
0x61: {  	_ =	swait.ge [sflag:s28], $0x800  }
0x62: {  	[sflag:s28] =	ssyncset.done $0x0  }
0x63: {  	s18 =	simm.s32 $0x800;
	s19 =	simm.s32 $0x9400;
	[sflag:s28] =	ssyncadd.s32 $0xFFFFF800  }
0x64: {  	[tilespmem:s19], [sflag:$0x1] =	stream.indirect.gather [hbm4b:s3+s12], $0x10, s18, s12, $0xb8;
	[tilespmem:$0x19400] =	vst v63  }
0x65: {  	s18 =	simm.s32 $0x880;
	s19 =	simm.s32 $0x9C00  }
0x66: {  	[tilespmem:s19], [sflag:$0x1] =	stream.indirect.gather [hbm4b:s3+s12], $0x10, s18, s12, $0xb8;
	[tilespmem:$0x19400] =	vst v63  }
0x67: {  	s18 =	simm.s32 $0x900;
	s19 =	simm.s32 $0xA400  }
0x68: {  	[tilespmem:s19], [sflag:$0x1] =	stream.indirect.gather [hbm4b:s3+s12], $0x10, s18, s12, $0xb8;
	[tilespmem:$0x19400] =	vst v63  }
0x69: {  	s18 =	simm.s32 $0x980;
	s19 =	simm.s32 $0xAC00  }
0x6a: {  	[tilespmem:s19], [sflag:$0x1] =	stream.indirect.gather [hbm4b:s3+s12], $0x10, s18, s12, $0xb8;
	[tilespmem:$0x19400] =	vst v63  }
0x6b: {  	s18 =	simm.s32 $0xA00;
	s19 =	simm.s32 $0xB400  }
0x6c: {  	[tilespmem:s19], [sflag:$0x1] =	stream.indirect.gather [hbm4b:s3+s12], $0x10, s18, s12, $0xb8;
	[tilespmem:$0x19400] =	vst v63  }
0x6d: {  	s18 =	simm.s32 $0xA80;
	s19 =	simm.s32 $0xBC00  }
0x6e: {  	[tilespmem:s19], [sflag:$0x1] =	stream.indirect.gather [hbm4b:s3+s12], $0x10, s18, s12, $0xb8;
	[tilespmem:$0x19400] =	vst v63  }
0x6f: {  	s18 =	simm.s32 $0xB00;
	s19 =	simm.s32 $0xC400  }
0x70: {  	[tilespmem:s19], [sflag:$0x1] =	stream.indirect.gather [hbm4b:s3+s12], $0x10, s18, s12, $0xb8;
	[tilespmem:$0x19400] =	vst v63  }
0x71: {  	s18 =	simm.s32 $0xB80;
	s19 =	simm.s32 $0xCC00  }
0x72: {  	[tilespmem:s19], [sflag:$0x1] =	stream.indirect.gather [hbm4b:s3+s12], $0x10, s18, s12, $0xb8;
	[tilespmem:$0x19400] =	vst v63  }
0x73: {  	_ =	swait.ge [sflag:s28], $0x800  }
0x74: {  	[sflag:s28] =	ssyncset.done $0x0  }
0x75: {  	[sflag:s28] =	ssyncadd.s32 $0xFFFFF800  }
0x76: {  	_ =	swait.ge [sflag:s28], $0x800  }
0x77: {  	[sflag:s28] =	ssyncset.done $0x0  }
0x78: {  	[sflag:s28] =	ssyncadd.s32 $0xFFFFF800  }
0x79: {  	_ =	swait.ge [sflag:s28], $0x800  }
0x7a: {  	[sflag:s28] =	ssyncset.done $0x0  }
0x7b: {  	[sflag:s28] =	ssyncadd.s32 $0xFFFFF800  }
0x7c: {  	_ =	swait.ge [sflag:s28], $0x800  }
0x7d: {  	[sflag:s28] =	ssyncset.done $0x0  }
0x7e: {  	[sflag:s28] =	ssyncadd.s32 $0xFFFFF800  }
0x7f: {  	_ =	swait.ge [sflag:s28], $0x800  }
0x80: {  	[sflag:s28] =	ssyncset.done $0x0  }
0x81: {  	[sflag:s28] =	ssyncadd.s32 $0xFFFFF800  }
0x82: {  	_ =	swait.ge [sflag:s28], $0x800  }
0x83: {  	[sflag:s28] =	ssyncset.done $0x0  }
0x84: {  	[sflag:s28] =	ssyncadd.s32 $0xFFFFF800  }
0x85: {  	_ =	swait.ge [sflag:s28], $0x800  }
0x86: {  	[sflag:s28] =	ssyncset.done $0x0  }
0x87: {  	[sflag:s28] =	ssyncadd.s32 $0xFFFFF800  }
0x88: {  	_ =	swait.ge [sflag:s28], $0x800  }
0x89: {  	[sflag:s28] =	ssyncset.done $0x0  }
0x8a: {  	s18 =	simm.s32 $0xC00;
	s19 =	simm.s32 $0xD400;
	[sflag:s28] =	ssyncadd.s32 $0xFFFFF800  }
0x8b: {  	[tilespmem:s19], [sflag:$0x1] =	stream.indirect.gather [hbm4b:s3+s12], $0x10, s18, s12, $0xb8;
	[tilespmem:$0x19400] =	vst v63  }
0x8c: {  	s18 =	simm.s32 $0xC80;
	s19 =	simm.s32 $0xDC00  }
0x8d: {  	[tilespmem:s19], [sflag:$0x1] =	stream.indirect.gather [hbm4b:s3+s12], $0x10, s18, s12, $0xb8;
	[tilespmem:$0x19400] =	vst v63  }
0x8e: {  	s18 =	simm.s32 $0xD00;
	s19 =	simm.s32 $0xE400  }
0x8f: {  	[tilespmem:s19], [sflag:$0x1] =	stream.indirect.gather [hbm4b:s3+s12], $0x10, s18, s12, $0xb8;
	[tilespmem:$0x19400] =	vst v63  }
0x90: {  	s18 =	simm.s32 $0xD80;
	s19 =	simm.s32 $0xEC00  }
0x91: {  	[tilespmem:s19], [sflag:$0x1] =	stream.indirect.gather [hbm4b:s3+s12], $0x10, s18, s12, $0xb8;
	[tilespmem:$0x19400] =	vst v63  }
0x92: {  	s18 =	simm.s32 $0xE00;
	s19 =	simm.s32 $0xF400  }
0x93: {  	[tilespmem:s19], [sflag:$0x1] =	stream.indirect.gather [hbm4b:s3+s12], $0x10, s18, s12, $0xb8;
	[tilespmem:$0x19400] =	vst v63  }
0x94: {  	s18 =	simm.s32 $0xE80;
	s19 =	simm.s32 $0xFC00  }
0x95: {  	[tilespmem:s19], [sflag:$0x1] =	stream.indirect.gather [hbm4b:s3+s12], $0x10, s18, s12, $0xb8;
	[tilespmem:$0x19400] =	vst v63  }
0x96: {  	s18 =	simm.s32 $0xF00;
	s19 =	simm.s32 $0x10400  }
0x97: {  	[tilespmem:s19], [sflag:$0x1] =	stream.indirect.gather [hbm4b:s3+s12], $0x10, s18, s12, $0xb8;
	[tilespmem:$0x19400] =	vst v63  }
0x98: {  	s18 =	simm.s32 $0xF80;
	s19 =	simm.s32 $0x10C00  }
0x99: {  	[tilespmem:s19], [sflag:$0x1] =	stream.indirect.gather [hbm4b:s3+s12], $0x10, s18, s12, $0xb8;
	[tilespmem:$0x19400] =	vst v63  }
0x9a: {  	_ =	swait.ge [sflag:s28], $0x800  }
0x9b: {  	[sflag:s28] =	ssyncset.done $0x0  }
0x9c: {  	[sflag:s28] =	ssyncadd.s32 $0xFFFFF800  }
0x9d: {  	_ =	swait.ge [sflag:s28], $0x800  }
0x9e: {  	[sflag:s28] =	ssyncset.done $0x0  }
0x9f: {  	[sflag:s28] =	ssyncadd.s32 $0xFFFFF800  }
0xa0: {  	_ =	swait.ge [sflag:s28], $0x800  }
0xa1: {  	[sflag:s28] =	ssyncset.done $0x0  }
0xa2: {  	[sflag:s28] =	ssyncadd.s32 $0xFFFFF800  }
0xa3: {  	_ =	swait.ge [sflag:s28], $0x800  }
0xa4: {  	[sflag:s28] =	ssyncset.done $0x0  }
0xa5: {  	[sflag:s28] =	ssyncadd.s32 $0xFFFFF800  }
0xa6: {  	_ =	swait.ge [sflag:s28], $0x800  }
0xa7: {  	[sflag:s28] =	ssyncset.done $0x0  }
0xa8: {  	[sflag:s28] =	ssyncadd.s32 $0xFFFFF800  }
0xa9: {  	_ =	swait.ge [sflag:s28], $0x800  }
0xaa: {  	[sflag:s28] =	ssyncset.done $0x0  }
0xab: {  	[sflag:s28] =	ssyncadd.s32 $0xFFFFF800  }
0xac: {  	_ =	swait.ge [sflag:s28], $0x800  }
0xad: {  	[sflag:s28] =	ssyncset.done $0x0  }
0xae: {  	[sflag:s28] =	ssyncadd.s32 $0xFFFFF800  }
0xaf: {  	_ =	swait.ge [sflag:s28], $0x800  }
0xb0: {  	[sflag:s28] =	ssyncset.done $0x0  }
0xb1: {  	s18 =	simm.s32 $0x1000;
	s19 =	simm.s32 $0x11400;
	[sflag:s28] =	ssyncadd.s32 $0xFFFFF800  }
0xb2: {  	[tilespmem:s19], [sflag:$0x1] =	stream.indirect.gather [hbm4b:s3+s12], $0x10, s18, s12, $0xb8;
	[tilespmem:$0x19400] =	vst v63  }
0xb3: {  	_ = 	snop  }
0xb4: {  	[tilespmem:s21], [sflag:$0x1] =	stream.indirect.gather [hbm4b:s3+s12], $0x10, s20, s12, $0xb8;
	[tilespmem:$0x19400] =	vst v63  }
0xb5: {  	_ = 	snop  }
0xb6: {  	[tilespmem:s23], [sflag:$0x1] =	stream.indirect.gather [hbm4b:s3+s12], $0x10, s22, s12, $0xb8;
	[tilespmem:$0x19400] =	vst v63  }
0xb7: {  	_ = 	snop  }
0xb8: {  	[tilespmem:s25], [sflag:$0x1] =	stream.indirect.gather [hbm4b:s3+s12], $0x10, s24, s12, $0xb8;
	[tilespmem:$0x19400] =	vst v63  }
0xb9: {  	_ = 	snop  }
0xba: {  	[tilespmem:s29], [sflag:$0x1] =	stream.indirect.gather [hbm4b:s3+s12], $0x10, s26, s12, $0xb8;
	[tilespmem:$0x19400] =	vst v63  }
0xbb: {  	_ = 	snop  }
0xbc: {  	[tilespmem:s31], [sflag:$0x1] =	stream.indirect.gather [hbm4b:s3+s12], $0x10, s30, s12, $0xb8;
	[tilespmem:$0x19400] =	vst v63  }
0xbd: {  	_ = 	snop  }
0xbe: {  	[tilespmem:s1], [sflag:$0x1] =	stream.indirect.gather [hbm4b:s3+s12], $0x10, s0, s12, $0xb8;
	[tilespmem:$0x19400] =	vst v63  }
0xbf: {  	_ = 	snop  }
0xc0: {  	[tilespmem:s14], [sflag:$0x1] =	stream.indirect.gather [hbm4b:s3+s12], $0x10, s13, s12, $0xb8;
	[tilespmem:$0x19400] =	vst v63  }
0xc1: {  	_ =	swait.ge [sflag:s28], $0x800  }
0xc2: {  	[sflag:s28] =	ssyncset.done $0x0  }
0xc3: {  	[sflag:s28] =	ssyncadd.s32 $0xFFFFF800  }
0xc4: {  	_ =	swait.ge [sflag:s28], $0x800  }
0xc5: {  	[sflag:s28] =	ssyncset.done $0x0  }
0xc6: {  	[sflag:s28] =	ssyncadd.s32 $0xFFFFF800  }
0xc7: {  	_ =	swait.ge [sflag:s28], $0x800  }
0xc8: {  	[sflag:s28] =	ssyncset.done $0x0  }
0xc9: {  	[sflag:s28] =	ssyncadd.s32 $0xFFFFF800  }
0xca: {  	_ =	swait.ge [sflag:s28], $0x800  }
0xcb: {  	[sflag:s28] =	ssyncset.done $0x0  }
0xcc: {  	[sflag:s28] =	ssyncadd.s32 $0xFFFFF800  }
0xcd: {  	_ =	swait.ge [sflag:s28], $0x800  }
0xce: {  	[sflag:s28] =	ssyncset.done $0x0  }
0xcf: {  	[sflag:s28] =	ssyncadd.s32 $0xFFFFF800  }
0xd0: {  	_ =	swait.ge [sflag:s28], $0x800  }
0xd1: {  	[sflag:s28] =	ssyncset.done $0x0  }
0xd2: {  	[sflag:s28] =	ssyncadd.s32 $0xFFFFF800  }
0xd3: {  	_ =	swait.ge [sflag:s28], $0x800  }
0xd4: {  	[sflag:s28] =	ssyncset.done $0x0  }
0xd5: {  	[sflag:s28] =	ssyncadd.s32 $0xFFFFF800  }
0xd6: {  	_ =	swait.ge [sflag:s28], $0x800  }
0xd7: {  	[sflag:s28] =	ssyncset.done $0x0  }
0xd8: {  	s17 =	simm.s32 $0x0;
	[sflag:s28] =	ssyncadd.s32 $0xFFFFF800  }
0xd9: {  	v3 =	vld [tilespmem:s17+$0x1470]  }
0xda: {  	v4 =	vld [tilespmem:s17+$0x1400]  }
0xdb: {  	v5 =	vld [tilespmem:s17+$0x1410]  }
0xdc: {  	v2 =	vld [tilespmem:s17+$0x1420]  }
0xdd: {  	v0 =	vld [tilespmem:s17+$0x1430]  }
0xde: {  	v1 =	vld [tilespmem:s17+$0x1440];
	[tilespmem:s17+$0x15470] =	vst v3  }
0xdf: {  	[tilespmem:s17+$0x15400] =	vst v4;
	v3 =	vld [tilespmem:s17+$0x1450]  }
0xe0: {  	s18 =	simm.s32 $0x80;
	s19 =	simm.s32 $0x400;
	[tilespmem:s17+$0x15410] =	vst v5;
	v4 =	vld [tilespmem:s17+$0x1460]  }
.LBB2_2:
0xe1: {  	p0 =	sne.s32 s19, $0xFE00;
	v5 =	vld [tilespmem:s18+$0x1470];
	[tilespmem:s17+$0x15420] =	vst v2  }
0xe2: {  	v6 =	vld [tilespmem:s18+$0x1400];
	[tilespmem:s17+$0x15430] =	vst v0  }
0xe3: {  	v7 =	vld [tilespmem:s18+$0x1410];
	[tilespmem:s17+$0x15440] =	vst v1  }
.Ltmp0:
0xe4: {  	v2 =	vld [tilespmem:s18+$0x1420];
	[tilespmem:s17+$0x15450] =	vst v3;
	(pc) =	sbr.rel @p0 .LBB2_2-.Ltmp0, $4  }
0xe5: {  	v0 =	vld [tilespmem:s18+$0x1430];
	[tilespmem:s17+$0x15460] =	vst v4;
	s17 =	smov.u32 s18  }
0xe6: {  	v1 =	vld [tilespmem:s17+$0x1440];
	[tilespmem:s17+$0x15470] =	vst v5  }
0xe7: {  	[tilespmem:s17+$0x15400] =	vst v6;
	v3 =	vld [tilespmem:s17+$0x1450]  }
0xe8: {  	s18 =	sshra.s32 s19, $0x2;
	s19 =	sadd.s32 $0x200, s19;
	[tilespmem:s17+$0x15410] =	vst v7;
	v4 =	vld [tilespmem:s17+$0x1460]  }
0xe9: {  	v5 =	vld [tilespmem:s18+$0x1470];
	[tilespmem:s17+$0x15420] =	vst v2  }
0xea: {  	v2 =	vld [tilespmem:s18+$0x1400];
	[tilespmem:s17+$0x15430] =	vst v0  }
0xeb: {  	v0 =	vld [tilespmem:s18+$0x1410];
	[tilespmem:s17+$0x15440] =	vst v1  }
0xec: {  	v1 =	vld [tilespmem:s18+$0x1420];
	[tilespmem:s17+$0x15450] =	vst v3  }
0xed: {  	v3 =	vld [tilespmem:s18+$0x1430];
	[tilespmem:s17+$0x15460] =	vst v4  }
0xee: {  	v4 =	vld [tilespmem:s18+$0x1440];
	[tilespmem:s18+$0x15470] =	vst v5  }
0xef: {  	[tilespmem:s18+$0x15400] =	vst v2;
	v2 =	vld [tilespmem:s18+$0x1450]  }
0xf0: {  	[tilespmem:s18+$0x15410] =	vst v0;
	v0 =	vld [tilespmem:s18+$0x1460]  }
0xf1: {  	[tilespmem:s18+$0x15420] =	vst v1  }
0xf2: {  	[tilespmem:s18+$0x15430] =	vst v3  }
0xf3: {  	[tilespmem:s18+$0x15440] =	vst v4  }
0xf4: {  	[tilespmem:s18+$0x15450] =	vst v2  }
0xf5: {  	s19 =	simm.s32 $0x0;
	[tilespmem:s18+$0x15460] =	vst v0  }
0xf6: {  	[hbm4b:s5+s19] =	stream.linear.scatter [tilespmem:s15], [sflag:$0x2], $0x4000, $0x38;
	[tilespmem:$0x19400] =	vst v63  }
0xf7: {  	_ =	swait.ge [sflag:s11], $0x4000  }
0xf8: {  	[sflag:s11] =	ssyncset.done $0x0  }
0xf9: {  	s17 =	simm.s32 $0x0;
	[sflag:s11] =	ssyncadd.s32 $0xFFFFC000  }
0xfa: {  	v3 =	vld [tilespmem:s17+$0x5470]  }
0xfb: {  	v4 =	vld [tilespmem:s17+$0x5400]  }
0xfc: {  	v5 =	vld [tilespmem:s17+$0x5410]  }
0xfd: {  	v2 =	vld [tilespmem:s17+$0x5420]  }
0xfe: {  	v0 =	vld [tilespmem:s17+$0x5430]  }
0xff: {  	v1 =	vld [tilespmem:s17+$0x5440];
	[tilespmem:s17+$0x15470] =	vst v3  }
0x100: {  	[tilespmem:s17+$0x15400] =	vst v4;
	v3 =	vld [tilespmem:s17+$0x5450]  }
0x101: {  	s18 =	simm.s32 $0x80;
	s19 =	simm.s32 $0x400;
	[tilespmem:s17+$0x15410] =	vst v5;
	v4 =	vld [tilespmem:s17+$0x5460]  }
.LBB2_4:
0x102: {  	p0 =	sne.s32 s19, $0xFE00;
	v5 =	vld [tilespmem:s18+$0x5470];
	[tilespmem:s17+$0x15420] =	vst v2  }
0x103: {  	v6 =	vld [tilespmem:s18+$0x5400];
	[tilespmem:s17+$0x15430] =	vst v0  }
0x104: {  	v7 =	vld [tilespmem:s18+$0x5410];
	[tilespmem:s17+$0x15440] =	vst v1  }
.Ltmp1:
0x105: {  	v2 =	vld [tilespmem:s18+$0x5420];
	[tilespmem:s17+$0x15450] =	vst v3;
	(pc) =	sbr.rel @p0 .LBB2_4-.Ltmp1, $4  }
0x106: {  	v0 =	vld [tilespmem:s18+$0x5430];
	[tilespmem:s17+$0x15460] =	vst v4;
	s17 =	smov.u32 s18  }
0x107: {  	v1 =	vld [tilespmem:s17+$0x5440];
	[tilespmem:s17+$0x15470] =	vst v5  }
0x108: {  	[tilespmem:s17+$0x15400] =	vst v6;
	v3 =	vld [tilespmem:s17+$0x5450]  }
0x109: {  	s18 =	sshra.s32 s19, $0x2;
	s19 =	sadd.s32 $0x200, s19;
	[tilespmem:s17+$0x15410] =	vst v7;
	v4 =	vld [tilespmem:s17+$0x5460]  }
0x10a: {  	v5 =	vld [tilespmem:s18+$0x5470];
	[tilespmem:s17+$0x15420] =	vst v2  }
0x10b: {  	v2 =	vld [tilespmem:s18+$0x5400];
	[tilespmem:s17+$0x15430] =	vst v0  }
0x10c: {  	v0 =	vld [tilespmem:s18+$0x5410];
	[tilespmem:s17+$0x15440] =	vst v1  }
0x10d: {  	v1 =	vld [tilespmem:s18+$0x5420];
	[tilespmem:s17+$0x15450] =	vst v3  }
0x10e: {  	v3 =	vld [tilespmem:s18+$0x5430];
	[tilespmem:s17+$0x15460] =	vst v4  }
0x10f: {  	v4 =	vld [tilespmem:s18+$0x5440];
	[tilespmem:s18+$0x15470] =	vst v5  }
0x110: {  	[tilespmem:s18+$0x15400] =	vst v2;
	v2 =	vld [tilespmem:s18+$0x5450]  }
0x111: {  	[tilespmem:s18+$0x15410] =	vst v0;
	v0 =	vld [tilespmem:s18+$0x5460]  }
0x112: {  	[tilespmem:s18+$0x15420] =	vst v1  }
0x113: {  	[tilespmem:s18+$0x15430] =	vst v3  }
0x114: {  	[tilespmem:s18+$0x15440] =	vst v4  }
0x115: {  	[tilespmem:s18+$0x15450] =	vst v2  }
0x116: {  	s19 =	simm.s32 $0x0;
	[tilespmem:s18+$0x15460] =	vst v0  }
0x117: {  	[hbm4b:s6+s19] =	stream.linear.scatter [tilespmem:s15], [sflag:$0x2], $0x4000, $0x38;
	[tilespmem:$0x19400] =	vst v63  }
0x118: {  	_ =	swait.ge [sflag:s11], $0x4000  }
0x119: {  	[sflag:s11] =	ssyncset.done $0x0  }
0x11a: {  	s17 =	simm.s32 $0x0;
	[sflag:s11] =	ssyncadd.s32 $0xFFFFC000  }
0x11b: {  	v3 =	vld [tilespmem:s17+$0x9470]  }
0x11c: {  	v4 =	vld [tilespmem:s17+$0x9400]  }
0x11d: {  	v5 =	vld [tilespmem:s17+$0x9410]  }
0x11e: {  	v2 =	vld [tilespmem:s17+$0x9420]  }
0x11f: {  	v0 =	vld [tilespmem:s17+$0x9430]  }
0x120: {  	v1 =	vld [tilespmem:s17+$0x9440];
	[tilespmem:s17+$0x15470] =	vst v3  }
0x121: {  	[tilespmem:s17+$0x15400] =	vst v4;
	v3 =	vld [tilespmem:s17+$0x9450]  }
0x122: {  	s18 =	simm.s32 $0x80;
	s19 =	simm.s32 $0x400;
	[tilespmem:s17+$0x15410] =	vst v5;
	v4 =	vld [tilespmem:s17+$0x9460]  }
.LBB2_6:
0x123: {  	p0 =	sne.s32 s19, $0xFE00;
	v5 =	vld [tilespmem:s18+$0x9470];
	[tilespmem:s17+$0x15420] =	vst v2  }
0x124: {  	v6 =	vld [tilespmem:s18+$0x9400];
	[tilespmem:s17+$0x15430] =	vst v0  }
0x125: {  	v7 =	vld [tilespmem:s18+$0x9410];
	[tilespmem:s17+$0x15440] =	vst v1  }
.Ltmp2:
0x126: {  	v2 =	vld [tilespmem:s18+$0x9420];
	[tilespmem:s17+$0x15450] =	vst v3;
	(pc) =	sbr.rel @p0 .LBB2_6-.Ltmp2, $4  }
0x127: {  	v0 =	vld [tilespmem:s18+$0x9430];
	[tilespmem:s17+$0x15460] =	vst v4;
	s17 =	smov.u32 s18  }
0x128: {  	v1 =	vld [tilespmem:s17+$0x9440];
	[tilespmem:s17+$0x15470] =	vst v5  }
0x129: {  	[tilespmem:s17+$0x15400] =	vst v6;
	v3 =	vld [tilespmem:s17+$0x9450]  }
0x12a: {  	s18 =	sshra.s32 s19, $0x2;
	s19 =	sadd.s32 $0x200, s19;
	[tilespmem:s17+$0x15410] =	vst v7;
	v4 =	vld [tilespmem:s17+$0x9460]  }
0x12b: {  	v5 =	vld [tilespmem:s18+$0x9470];
	[tilespmem:s17+$0x15420] =	vst v2  }
0x12c: {  	v2 =	vld [tilespmem:s18+$0x9400];
	[tilespmem:s17+$0x15430] =	vst v0  }
0x12d: {  	v0 =	vld [tilespmem:s18+$0x9410];
	[tilespmem:s17+$0x15440] =	vst v1  }
0x12e: {  	v1 =	vld [tilespmem:s18+$0x9420];
	[tilespmem:s17+$0x15450] =	vst v3  }
0x12f: {  	v3 =	vld [tilespmem:s18+$0x9430];
	[tilespmem:s17+$0x15460] =	vst v4  }
0x130: {  	v4 =	vld [tilespmem:s18+$0x9440];
	[tilespmem:s18+$0x15470] =	vst v5  }
0x131: {  	[tilespmem:s18+$0x15400] =	vst v2;
	v2 =	vld [tilespmem:s18+$0x9450]  }
0x132: {  	[tilespmem:s18+$0x15410] =	vst v0;
	v0 =	vld [tilespmem:s18+$0x9460]  }
0x133: {  	[tilespmem:s18+$0x15420] =	vst v1  }
0x134: {  	[tilespmem:s18+$0x15430] =	vst v3  }
0x135: {  	[tilespmem:s18+$0x15440] =	vst v4  }
0x136: {  	[tilespmem:s18+$0x15450] =	vst v2  }
0x137: {  	s19 =	simm.s32 $0x0;
	[tilespmem:s18+$0x15460] =	vst v0  }
0x138: {  	[hbm4b:s7+s19] =	stream.linear.scatter [tilespmem:s15], [sflag:$0x2], $0x4000, $0x38;
	[tilespmem:$0x19400] =	vst v63  }
0x139: {  	_ =	swait.ge [sflag:s11], $0x4000  }
0x13a: {  	[sflag:s11] =	ssyncset.done $0x0  }
0x13b: {  	s17 =	simm.s32 $0x0;
	[sflag:s11] =	ssyncadd.s32 $0xFFFFC000  }
0x13c: {  	v3 =	vld [tilespmem:s17+$0xD470]  }
0x13d: {  	v4 =	vld [tilespmem:s17+$0xD400]  }
0x13e: {  	v5 =	vld [tilespmem:s17+$0xD410]  }
0x13f: {  	v2 =	vld [tilespmem:s17+$0xD420]  }
0x140: {  	v0 =	vld [tilespmem:s17+$0xD430]  }
0x141: {  	v1 =	vld [tilespmem:s17+$0xD440];
	[tilespmem:s17+$0x15470] =	vst v3  }
0x142: {  	[tilespmem:s17+$0x15400] =	vst v4;
	v3 =	vld [tilespmem:s17+$0xD450]  }
0x143: {  	s18 =	simm.s32 $0x80;
	s19 =	simm.s32 $0x400;
	[tilespmem:s17+$0x15410] =	vst v5;
	v4 =	vld [tilespmem:s17+$0xD460]  }
.LBB2_8:
0x144: {  	p0 =	sne.s32 s19, $0xFE00;
	v5 =	vld [tilespmem:s18+$0xD470];
	[tilespmem:s17+$0x15420] =	vst v2  }
0x145: {  	v6 =	vld [tilespmem:s18+$0xD400];
	[tilespmem:s17+$0x15430] =	vst v0  }
0x146: {  	v7 =	vld [tilespmem:s18+$0xD410];
	[tilespmem:s17+$0x15440] =	vst v1  }
.Ltmp3:
0x147: {  	v2 =	vld [tilespmem:s18+$0xD420];
	[tilespmem:s17+$0x15450] =	vst v3;
	(pc) =	sbr.rel @p0 .LBB2_8-.Ltmp3, $4  }
0x148: {  	v0 =	vld [tilespmem:s18+$0xD430];
	[tilespmem:s17+$0x15460] =	vst v4;
	s17 =	smov.u32 s18  }
0x149: {  	v1 =	vld [tilespmem:s17+$0xD440];
	[tilespmem:s17+$0x15470] =	vst v5  }
0x14a: {  	[tilespmem:s17+$0x15400] =	vst v6;
	v3 =	vld [tilespmem:s17+$0xD450]  }
0x14b: {  	s18 =	sshra.s32 s19, $0x2;
	s19 =	sadd.s32 $0x200, s19;
	[tilespmem:s17+$0x15410] =	vst v7;
	v4 =	vld [tilespmem:s17+$0xD460]  }
0x14c: {  	v5 =	vld [tilespmem:s18+$0xD470];
	[tilespmem:s17+$0x15420] =	vst v2  }
0x14d: {  	v2 =	vld [tilespmem:s18+$0xD400];
	[tilespmem:s17+$0x15430] =	vst v0  }
0x14e: {  	v0 =	vld [tilespmem:s18+$0xD410];
	[tilespmem:s17+$0x15440] =	vst v1  }
0x14f: {  	v1 =	vld [tilespmem:s18+$0xD420];
	[tilespmem:s17+$0x15450] =	vst v3  }
0x150: {  	v3 =	vld [tilespmem:s18+$0xD430];
	[tilespmem:s17+$0x15460] =	vst v4  }
0x151: {  	v4 =	vld [tilespmem:s18+$0xD440];
	[tilespmem:s18+$0x15470] =	vst v5  }
0x152: {  	[tilespmem:s18+$0x15400] =	vst v2;
	v2 =	vld [tilespmem:s18+$0xD450]  }
0x153: {  	[tilespmem:s18+$0x15410] =	vst v0;
	v0 =	vld [tilespmem:s18+$0xD460]  }
0x154: {  	[tilespmem:s18+$0x15420] =	vst v1  }
0x155: {  	[tilespmem:s18+$0x15430] =	vst v3  }
0x156: {  	[tilespmem:s18+$0x15440] =	vst v4  }
0x157: {  	[tilespmem:s18+$0x15450] =	vst v2  }
0x158: {  	s19 =	simm.s32 $0x0;
	[tilespmem:s18+$0x15460] =	vst v0  }
0x159: {  	[hbm4b:s8+s19] =	stream.linear.scatter [tilespmem:s15], [sflag:$0x2], $0x4000, $0x38;
	[tilespmem:$0x19400] =	vst v63  }
0x15a: {  	_ =	swait.ge [sflag:s11], $0x4000  }
0x15b: {  	[sflag:s11] =	ssyncset.done $0x0  }
0x15c: {  	s17 =	simm.s32 $0x0;
	[sflag:s11] =	ssyncadd.s32 $0xFFFFC000  }
0x15d: {  	v3 =	vld [tilespmem:s17+$0x11470]  }
0x15e: {  	v4 =	vld [tilespmem:s17+$0x11400]  }
0x15f: {  	v5 =	vld [tilespmem:s17+$0x11410]  }
0x160: {  	v2 =	vld [tilespmem:s17+$0x11420]  }
0x161: {  	v0 =	vld [tilespmem:s17+$0x11430]  }
0x162: {  	v1 =	vld [tilespmem:s17+$0x11440];
	[tilespmem:s17+$0x15470] =	vst v3  }
0x163: {  	[tilespmem:s17+$0x15400] =	vst v4;
	v3 =	vld [tilespmem:s17+$0x11450]  }
0x164: {  	s18 =	simm.s32 $0x80;
	s19 =	simm.s32 $0x400;
	[tilespmem:s17+$0x15410] =	vst v5;
	v4 =	vld [tilespmem:s17+$0x11460]  }
.LBB2_10:
0x165: {  	p0 =	sne.s32 s19, $0xFE00;
	v5 =	vld [tilespmem:s18+$0x11470];
	[tilespmem:s17+$0x15420] =	vst v2  }
0x166: {  	v6 =	vld [tilespmem:s18+$0x11400];
	[tilespmem:s17+$0x15430] =	vst v0  }
0x167: {  	v7 =	vld [tilespmem:s18+$0x11410];
	[tilespmem:s17+$0x15440] =	vst v1  }
.Ltmp4:
0x168: {  	v2 =	vld [tilespmem:s18+$0x11420];
	[tilespmem:s17+$0x15450] =	vst v3;
	(pc) =	sbr.rel @p0 .LBB2_10-.Ltmp4, $4  }
0x169: {  	v0 =	vld [tilespmem:s18+$0x11430];
	[tilespmem:s17+$0x15460] =	vst v4;
	s17 =	smov.u32 s18  }
0x16a: {  	v1 =	vld [tilespmem:s17+$0x11440];
	[tilespmem:s17+$0x15470] =	vst v5  }
0x16b: {  	[tilespmem:s17+$0x15400] =	vst v6;
	v3 =	vld [tilespmem:s17+$0x11450]  }
0x16c: {  	s18 =	sshra.s32 s19, $0x2;
	s19 =	sadd.s32 $0x200, s19;
	[tilespmem:s17+$0x15410] =	vst v7;
	v4 =	vld [tilespmem:s17+$0x11460]  }
0x16d: {  	v5 =	vld [tilespmem:s18+$0x11470];
	[tilespmem:s17+$0x15420] =	vst v2  }
0x16e: {  	v2 =	vld [tilespmem:s18+$0x11400];
	[tilespmem:s17+$0x15430] =	vst v0  }
0x16f: {  	v0 =	vld [tilespmem:s18+$0x11410];
	[tilespmem:s17+$0x15440] =	vst v1  }
0x170: {  	v1 =	vld [tilespmem:s18+$0x11420];
	[tilespmem:s17+$0x15450] =	vst v3  }
0x171: {  	v3 =	vld [tilespmem:s18+$0x11430];
	[tilespmem:s17+$0x15460] =	vst v4  }
0x172: {  	v4 =	vld [tilespmem:s18+$0x11440];
	[tilespmem:s18+$0x15470] =	vst v5  }
0x173: {  	v62 =	vld [tilespmem:s18+$0x11450];
	[tilespmem:s18+$0x15400] =	vst v2  }
0x174: {  	v63 =	vld [tilespmem:s18+$0x11460];
	[tilespmem:s18+$0x15410] =	vst v0  }
0x175: {  	[tilespmem:s18+$0x15420] =	vst v1  }
0x176: {  	[tilespmem:s18+$0x15430] =	vst v3  }
0x177: {  	s16 =	sadd.s32 $0x1, s16;
	[tilespmem:s18+$0x15440] =	vst v4  }
0x178: {  	p0 =	sne.s32 s16, s10;
	[tilespmem:s18+$0x15450] =	vst v62  }
.Ltmp5:
0x179: {  	[tilespmem:s18+$0x15460] =	vst v63;
	(pc) =	sbr.rel @p0 .LBB2_1-.Ltmp5, $4  }
0x17a: {  	[hbm4b:s9+s2] =	stream.linear.scatter [tilespmem:s15], [sflag:$0x2], $0x4000, $0x38;
	[tilespmem:$0x19400] =	vst v63  }
0x17b: {  	_ =	swait.ge [sflag:s11], $0x4000  }
0x17c: {  	[sflag:s11] =	ssyncset.done $0x0  }
0x17d: {  	[sflag:s11] =	ssyncadd.s32 $0xFFFFC000  }
0x17e: {  	_ =	sfence.sel $0x180000  }
0x17f: {  	[bflag:$0x0] =	sbarrier.arrive $0xFFFF  }
0x180: {  	_ =	strace $0x90000047  }
0x181: {  	s0 =	stileid.u32;
	[bflag:$0x2] =	sbarrier.arrive $0xFFFF  }
0x182: {  	p0 =	sne.s32 s0, $0x0;
	s0 =	rddreg [dreg:$0x2]  }
0x183: {  	s0 =	sadd.s32 @!p0 $0x100000, s0  }
0x184: {  	[sflag:s0] =	ssyncadd.tile.s32 @!p0 $0x1;
	_ =	shalt  }
.Lfunc_end2:
_tile_overlayer_lowered:
.L_overlay_start_2:
0x185: {  	(tag) =	ssettag $0x2  }
0x186: {  	s0 =	rddreg [dreg:$0x0];
	s2 =	stileid.u32  }
0x187: {  	s1 =	rddreg [dreg:$0x1];
	p0 =	sne.s32 s2, $0x0  }
0x188: {  	s3 =	rddreg [dreg:$0x2];
	[bflag:$0x3] =	sbarrier.arrive $0xFFFF;
	s2 =	simm.s32 @!p0 $0x1C02  }
0x189: {  	[timem:s3], [sflag:s2] =	dma.local @!p0 [hbm:s0], s1  }
0x18a: {  	s0 =	simm.s32 @!p0 $0x2  }
0x18b: {  	_ =	swait.ge @!p0 [sflag:s0], s1  }
0x18c: {  	s1 =	ssub.s32 @!p0 $0x0, s1;
	[sflag:s0] =	ssyncset.done @!p0 $0x0  }
0x18d: {  	[sflag:s0] =	ssyncadd.s32 @!p0 s1  }
0x18e: {  	[bflag:$0x3] =	sbarrier.arrive $0xFFFF  }
0x18f: {  	_ =	shalt  }

</sc_bundles>
